<compile_context>
chip_gen: v7x
topology: tpu7x:2x2x1
jax: 0.10.2.dev20260603
libtpu: 0.0.44.dev20260713+nightly
codegen_flags: <defaults>
</compile_context>

<pallas_src>
import functools

import jax
import jax.numpy as jnp
from jax import lax
from jax.experimental import pallas as pl
from jax.experimental.pallas import tpu as pltpu
from jax.experimental.pallas import tpu_sc as plsc

_BATCH = 4096
_ATOMS = 50
_N = _BATCH * _ATOMS
_NUM_WORKERS = 16
_CHUNK = _N // _NUM_WORKERS
_LANES = 16
_TABLE_PAD = 128


_NSUB = 4
_SUB = _CHUNK // _NSUB


def _sc_body(energies_hbm, table_hbm, idx_hbm, out_hbm, table_v, idx_v, e_v, sems):
    wid = lax.axis_index("s")
    base = wid * _CHUNK
    ct = pltpu.async_copy(table_hbm, table_v, sems.at[2 * _NSUB])
    cis = [
        pltpu.async_copy(idx_hbm.at[pl.ds(base + k * _SUB, _SUB)],
                         idx_v.at[pl.ds(k * _SUB, _SUB)], sems.at[k])
        for k in range(_NSUB)
    ]
    ces = [
        pltpu.async_copy(energies_hbm.at[pl.ds(base + k * _SUB, _SUB)],
                         e_v.at[pl.ds(k * _SUB, _SUB)], sems.at[_NSUB + k])
        for k in range(_NSUB)
    ]
    ct.wait()
    outs = []
    for k in range(_NSUB):
        cis[k].wait()
        ces[k].wait()

        @plsc.parallel_loop(k * _SUB, (k + 1) * _SUB, step=_LANES, unroll=8)
        def _gather_add(i):
            sl = pl.ds(i, _LANES)
            vals = plsc.load_gather(table_v, [idx_v[sl]])
            plsc.addupdate(e_v.at[sl], vals)

        outs.append(pltpu.async_copy(
            e_v.at[pl.ds(k * _SUB, _SUB)],
            out_hbm.at[pl.ds(base + k * _SUB, _SUB)], sems.at[k]))
    for c in outs:
        c.wait()


@jax.jit
def _run(energies_flat, table_pad, idx_flat):
    mesh = plsc.VectorSubcoreMesh(core_axis_name="c", subcore_axis_name="s", num_cores=1)
    fn = functools.partial(
        pl.kernel,
        mesh=mesh,
        out_type=jax.ShapeDtypeStruct((_N,), jnp.float32),
        scratch_types=[
            pltpu.VMEM((_TABLE_PAD,), jnp.float32),
            pltpu.VMEM((_CHUNK,), jnp.int32),
            pltpu.VMEM((_CHUNK,), jnp.float32),
            pltpu.SemaphoreType.DMA((2 * _NSUB + 1,)),
        ],
        compiler_params=pltpu.CompilerParams(needs_layout_passes=False),
    )(_sc_body)
    return fn(energies_flat, table_pad, idx_flat)


def kernel(atomic_energies, atom_ref, atomic_numbers):
    energies_flat = atomic_energies.reshape(_N)
    idx_flat = atomic_numbers.reshape(_N).astype(jnp.int32)
    table_pad = jnp.pad(atom_ref.reshape(-1), (0, _TABLE_PAD - atom_ref.shape[0]))
    out = _run(energies_flat, table_pad, idx_flat)
    return out.reshape(_BATCH, _ATOMS, 1)

# --- scband reference (transcript-rebuilt; emitter-appended) ---
"""Pipeline reference for scband-atom-ref-offset-8641474199803 (READ-ONLY COPY).

The authoritative reference and input builder live on the scoring server;
editing this copy changes nothing except your own understanding.
"""

import jax, jax.numpy as jnp
import numpy as np

NUM_REFS = 100
BATCH = 4096
ATOMS = 50


def setup_inputs(seed: int = 0) -> dict:
    key = jax.random.key(seed)
    k1, k2 = jax.random.split(key)
    atomic_numbers = jax.random.randint(k1, (BATCH, ATOMS), 0, NUM_REFS)
    atomic_energies = jax.random.normal(k2, (BATCH, ATOMS, 1), dtype=jnp.float32)
    # atom_ref from init_kwargs: atom_ref[z] = -0.5*z, expanded to (NUM_REFS, 1)
    atom_ref = (jnp.arange(NUM_REFS, dtype=jnp.float32) * -0.5)[:, None]
    return {
        "atomic_energies": atomic_energies,
        "atom_ref": atom_ref,
        "atomic_numbers": atomic_numbers,
    }


def reference(atomic_energies, atom_ref, atomic_numbers):
    # Faithful translation of AtomRefOffset.call with inputs=(atomic_numbers, atomic_energies)
    # atomic_numbers is rank-2 -> build one-hot, then K.dot(one_hot, atom_ref)
    one_hot = jax.nn.one_hot(atomic_numbers, atom_ref.shape[0], dtype=atomic_energies.dtype)
    ref_energies = jnp.dot(one_hot, atom_ref)  # (B, A, 1)
    # add_offset=True
    return atomic_energies + ref_energies

if __name__ == "__main__":
    import jax
    _d = setup_inputs()
    print(jax.jit(kernel)(*tuple(_d.values())))

</pallas_src>

<mosaic_0001>
#map = affine_map<(d0, d1) -> (0)>
module attributes {stable_mosaic.version = 14 : i64} {
  func.func @_sc_body(%arg0: i32, %arg1: i32, %arg2: memref<204800xf32, #tpu.memory_space<hbm>>, %arg3: memref<128xf32, #tpu.memory_space<hbm>>, %arg4: memref<204800xi32, #tpu.memory_space<hbm>>, %arg5: memref<204800xf32, #tpu.memory_space<hbm>>, %arg6: memref<128xf32, #tpu.memory_space<vmem>>, %arg7: memref<12800xi32, #tpu.memory_space<vmem>>, %arg8: memref<12800xf32, #tpu.memory_space<vmem>>, %arg9: memref<9x!tpu.dma_semaphore, #tpu.memory_space<semaphore_mem>>) attributes {dimension_semantics = [#tpu.dimension_semantics<core_parallel>, #tpu.dimension_semantics<subcore_parallel>], iteration_bounds = array<i64: 1, 16>, scalar_prefetch = 0 : i64, scratch_operands = 4 : i64, tpu.core_type = #tpu.core_type<sc_vector_subcore>, window_params = [{transform_indices = #map}, {transform_indices = #map}, {transform_indices = #map}, {transform_indices = #map}]} {
    %mul3A = arith.constant 12800 : i32
    %mul3A_0 = arith.muli %arg1, %mul3A : i32
    %dma_start3A = arith.constant 8 : i32
    %dma_start3A_1 = tpu.memref_slice %arg9[%dma_start3A] : memref<9x!tpu.dma_semaphore, #tpu.memory_space<semaphore_mem>> -> memref<1x!tpu.dma_semaphore, #tpu.memory_space<semaphore_mem>>
    %dma_start3A_2 = tpu.memref_squeeze %dma_start3A_1 : memref<1x!tpu.dma_semaphore, #tpu.memory_space<semaphore_mem>> -> memref<!tpu.dma_semaphore, #tpu.memory_space<semaphore_mem>>
    tpu.enqueue_dma source(%arg3 : memref<128xf32, #tpu.memory_space<hbm>>) target(%arg6 : memref<128xf32, #tpu.memory_space<vmem>>) target_semaphore(%dma_start3A_2 : memref<!tpu.dma_semaphore, #tpu.memory_space<semaphore_mem>>)
    %add3A = arith.constant 0 : i32
    %add3A_3 = arith.addi %mul3A_0, %add3A : i32
    %dma_start3A_4 = arith.constant 0 : i32
    %dma_start3A_5 = arith.constant 0 : i32
    %dma_start3A_6 = tpu.memref_slice %arg7[%dma_start3A_5] : memref<12800xi32, #tpu.memory_space<vmem>> -> memref<3200xi32, #tpu.memory_space<vmem>>
    %dma_start3A_7 = tpu.memref_slice %arg4[%add3A_3] : memref<204800xi32, #tpu.memory_space<hbm>> -> memref<3200xi32, #tpu.memory_space<hbm>>
    %dma_start3A_8 = tpu.memref_slice %arg9[%dma_start3A_4] : memref<9x!tpu.dma_semaphore, #tpu.memory_space<semaphore_mem>> -> memref<1x!tpu.dma_semaphore, #tpu.memory_space<semaphore_mem>>
    %dma_start3A_9 = tpu.memref_squeeze %dma_start3A_8 : memref<1x!tpu.dma_semaphore, #tpu.memory_space<semaphore_mem>> -> memref<!tpu.dma_semaphore, #tpu.memory_space<semaphore_mem>>
    %dma_start3A_10 = arith.constant 0 : i32
    %dma_start3A_11 = tpu.memref_slice %arg7[%dma_start3A_10] : memref<12800xi32, #tpu.memory_space<vmem>> -> memref<3200xi32, #tpu.memory_space<vmem>>
    %dma_start3A_12 = tpu.memref_slice %arg4[%add3A_3] : memref<204800xi32, #tpu.memory_space<hbm>> -> memref<3200xi32, #tpu.memory_space<hbm>>
    tpu.enqueue_dma source(%dma_start3A_12 : memref<3200xi32, #tpu.memory_space<hbm>>) target(%dma_start3A_11 : memref<3200xi32, #tpu.memory_space<vmem>>) target_semaphore(%dma_start3A_9 : memref<!tpu.dma_semaphore, #tpu.memory_space<semaphore_mem>>)
    %add3A_13 = arith.constant 3200 : i32
    %add3A_14 = arith.addi %mul3A_0, %add3A_13 : i32
    %dma_start3A_15 = arith.constant 1 : i32
    %dma_start3A_16 = arith.constant 3200 : i32
    %dma_start3A_17 = tpu.memref_slice %arg7[%dma_start3A_16] : memref<12800xi32, #tpu.memory_space<vmem>> -> memref<3200xi32, #tpu.memory_space<vmem>>
    %dma_start3A_18 = tpu.memref_slice %arg4[%add3A_14] : memref<204800xi32, #tpu.memory_space<hbm>> -> memref<3200xi32, #tpu.memory_space<hbm>>
    %dma_start3A_19 = tpu.memref_slice %arg9[%dma_start3A_15] : memref<9x!tpu.dma_semaphore, #tpu.memory_space<semaphore_mem>> -> memref<1x!tpu.dma_semaphore, #tpu.memory_space<semaphore_mem>>
    %dma_start3A_20 = tpu.memref_squeeze %dma_start3A_19 : memref<1x!tpu.dma_semaphore, #tpu.memory_space<semaphore_mem>> -> memref<!tpu.dma_semaphore, #tpu.memory_space<semaphore_mem>>
    %dma_start3A_21 = arith.constant 3200 : i32
    %dma_start3A_22 = tpu.memref_slice %arg7[%dma_start3A_21] : memref<12800xi32, #tpu.memory_space<vmem>> -> memref<3200xi32, #tpu.memory_space<vmem>>
    %dma_start3A_23 = tpu.memref_slice %arg4[%add3A_14] : memref<204800xi32, #tpu.memory_space<hbm>> -> memref<3200xi32, #tpu.memory_space<hbm>>
    tpu.enqueue_dma source(%dma_start3A_23 : memref<3200xi32, #tpu.memory_space<hbm>>) target(%dma_start3A_22 : memref<3200xi32, #tpu.memory_space<vmem>>) target_semaphore(%dma_start3A_20 : memref<!tpu.dma_semaphore, #tpu.memory_space<semaphore_mem>>)
    %add3A_24 = arith.constant 6400 : i32
    %add3A_25 = arith.addi %mul3A_0, %add3A_24 : i32
    %dma_start3A_26 = arith.constant 2 : i32
    %dma_start3A_27 = arith.constant 6400 : i32
    %dma_start3A_28 = tpu.memref_slice %arg7[%dma_start3A_27] : memref<12800xi32, #tpu.memory_space<vmem>> -> memref<3200xi32, #tpu.memory_space<vmem>>
    %dma_start3A_29 = tpu.memref_slice %arg4[%add3A_25] : memref<204800xi32, #tpu.memory_space<hbm>> -> memref<3200xi32, #tpu.memory_space<hbm>>
    %dma_start3A_30 = tpu.memref_slice %arg9[%dma_start3A_26] : memref<9x!tpu.dma_semaphore, #tpu.memory_space<semaphore_mem>> -> memref<1x!tpu.dma_semaphore, #tpu.memory_space<semaphore_mem>>
    %dma_start3A_31 = tpu.memref_squeeze %dma_start3A_30 : memref<1x!tpu.dma_semaphore, #tpu.memory_space<semaphore_mem>> -> memref<!tpu.dma_semaphore, #tpu.memory_space<semaphore_mem>>
    %dma_start3A_32 = arith.constant 6400 : i32
    %dma_start3A_33 = tpu.memref_slice %arg7[%dma_start3A_32] : memref<12800xi32, #tpu.memory_space<vmem>> -> memref<3200xi32, #tpu.memory_space<vmem>>
    %dma_start3A_34 = tpu.memref_slice %arg4[%add3A_25] : memref<204800xi32, #tpu.memory_space<hbm>> -> memref<3200xi32, #tpu.memory_space<hbm>>
    tpu.enqueue_dma source(%dma_start3A_34 : memref<3200xi32, #tpu.memory_space<hbm>>) target(%dma_start3A_33 : memref<3200xi32, #tpu.memory_space<vmem>>) target_semaphore(%dma_start3A_31 : memref<!tpu.dma_semaphore, #tpu.memory_space<semaphore_mem>>)
    %add3A_35 = arith.constant 9600 : i32
    %add3A_36 = arith.addi %mul3A_0, %add3A_35 : i32
    %dma_start3A_37 = arith.constant 3 : i32
    %dma_start3A_38 = arith.constant 9600 : i32
    %dma_start3A_39 = tpu.memref_slice %arg7[%dma_start3A_38] : memref<12800xi32, #tpu.memory_space<vmem>> -> memref<3200xi32, #tpu.memory_space<vmem>>
    %dma_start3A_40 = tpu.memref_slice %arg4[%add3A_36] : memref<204800xi32, #tpu.memory_space<hbm>> -> memref<3200xi32, #tpu.memory_space<hbm>>
    %dma_start3A_41 = tpu.memref_slice %arg9[%dma_start3A_37] : memref<9x!tpu.dma_semaphore, #tpu.memory_space<semaphore_mem>> -> memref<1x!tpu.dma_semaphore, #tpu.memory_space<semaphore_mem>>
    %dma_start3A_42 = tpu.memref_squeeze %dma_start3A_41 : memref<1x!tpu.dma_semaphore, #tpu.memory_space<semaphore_mem>> -> memref<!tpu.dma_semaphore, #tpu.memory_space<semaphore_mem>>
    %dma_start3A_43 = arith.constant 9600 : i32
    %dma_start3A_44 = tpu.memref_slice %arg7[%dma_start3A_43] : memref<12800xi32, #tpu.memory_space<vmem>> -> memref<3200xi32, #tpu.memory_space<vmem>>
    %dma_start3A_45 = tpu.memref_slice %arg4[%add3A_36] : memref<204800xi32, #tpu.memory_space<hbm>> -> memref<3200xi32, #tpu.memory_space<hbm>>
    tpu.enqueue_dma source(%dma_start3A_45 : memref<3200xi32, #tpu.memory_space<hbm>>) target(%dma_start3A_44 : memref<3200xi32, #tpu.memory_space<vmem>>) target_semaphore(%dma_start3A_42 : memref<!tpu.dma_semaphore, #tpu.memory_space<semaphore_mem>>)
    %add3A_46 = arith.constant 0 : i32
    %add3A_47 = arith.addi %mul3A_0, %add3A_46 : i32
    %dma_start3A_48 = arith.constant 4 : i32
    %dma_start3A_49 = arith.constant 0 : i32
    %dma_start3A_50 = tpu.memref_slice %arg8[%dma_start3A_49] : memref<12800xf32, #tpu.memory_space<vmem>> -> memref<3200xf32, #tpu.memory_space<vmem>>
    %dma_start3A_51 = tpu.memref_slice %arg2[%add3A_47] : memref<204800xf32, #tpu.memory_space<hbm>> -> memref<3200xf32, #tpu.memory_space<hbm>>
    %dma_start3A_52 = tpu.memref_slice %arg9[%dma_start3A_48] : memref<9x!tpu.dma_semaphore, #tpu.memory_space<semaphore_mem>> -> memref<1x!tpu.dma_semaphore, #tpu.memory_space<semaphore_mem>>
    %dma_start3A_53 = tpu.memref_squeeze %dma_start3A_52 : memref<1x!tpu.dma_semaphore, #tpu.memory_space<semaphore_mem>> -> memref<!tpu.dma_semaphore, #tpu.memory_space<semaphore_mem>>
    %dma_start3A_54 = arith.constant 0 : i32
    %dma_start3A_55 = tpu.memref_slice %arg8[%dma_start3A_54] : memref<12800xf32, #tpu.memory_space<vmem>> -> memref<3200xf32, #tpu.memory_space<vmem>>
    %dma_start3A_56 = tpu.memref_slice %arg2[%add3A_47] : memref<204800xf32, #tpu.memory_space<hbm>> -> memref<3200xf32, #tpu.memory_space<hbm>>
    tpu.enqueue_dma source(%dma_start3A_56 : memref<3200xf32, #tpu.memory_space<hbm>>) target(%dma_start3A_55 : memref<3200xf32, #tpu.memory_space<vmem>>) target_semaphore(%dma_start3A_53 : memref<!tpu.dma_semaphore, #tpu.memory_space<semaphore_mem>>)
    %add3A_57 = arith.constant 3200 : i32
    %add3A_58 = arith.addi %mul3A_0, %add3A_57 : i32
    %dma_start3A_59 = arith.constant 5 : i32
    %dma_start3A_60 = arith.constant 3200 : i32
    %dma_start3A_61 = tpu.memref_slice %arg8[%dma_start3A_60] : memref<12800xf32, #tpu.memory_space<vmem>> -> memref<3200xf32, #tpu.memory_space<vmem>>
    %dma_start3A_62 = tpu.memref_slice %arg2[%add3A_58] : memref<204800xf32, #tpu.memory_space<hbm>> -> memref<3200xf32, #tpu.memory_space<hbm>>
    %dma_start3A_63 = tpu.memref_slice %arg9[%dma_start3A_59] : memref<9x!tpu.dma_semaphore, #tpu.memory_space<semaphore_mem>> -> memref<1x!tpu.dma_semaphore, #tpu.memory_space<semaphore_mem>>
    %dma_start3A_64 = tpu.memref_squeeze %dma_start3A_63 : memref<1x!tpu.dma_semaphore, #tpu.memory_space<semaphore_mem>> -> memref<!tpu.dma_semaphore, #tpu.memory_space<semaphore_mem>>
    %dma_start3A_65 = arith.constant 3200 : i32
    %dma_start3A_66 = tpu.memref_slice %arg8[%dma_start3A_65] : memref<12800xf32, #tpu.memory_space<vmem>> -> memref<3200xf32, #tpu.memory_space<vmem>>
    %dma_start3A_67 = tpu.memref_slice %arg2[%add3A_58] : memref<204800xf32, #tpu.memory_space<hbm>> -> memref<3200xf32, #tpu.memory_space<hbm>>
    tpu.enqueue_dma source(%dma_start3A_67 : memref<3200xf32, #tpu.memory_space<hbm>>) target(%dma_start3A_66 : memref<3200xf32, #tpu.memory_space<vmem>>) target_semaphore(%dma_start3A_64 : memref<!tpu.dma_semaphore, #tpu.memory_space<semaphore_mem>>)
    %add3A_68 = arith.constant 6400 : i32
    %add3A_69 = arith.addi %mul3A_0, %add3A_68 : i32
    %dma_start3A_70 = arith.constant 6 : i32
    %dma_start3A_71 = arith.constant 6400 : i32
    %dma_start3A_72 = tpu.memref_slice %arg8[%dma_start3A_71] : memref<12800xf32, #tpu.memory_space<vmem>> -> memref<3200xf32, #tpu.memory_space<vmem>>
    %dma_start3A_73 = tpu.memref_slice %arg2[%add3A_69] : memref<204800xf32, #tpu.memory_space<hbm>> -> memref<3200xf32, #tpu.memory_space<hbm>>
    %dma_start3A_74 = tpu.memref_slice %arg9[%dma_start3A_70] : memref<9x!tpu.dma_semaphore, #tpu.memory_space<semaphore_mem>> -> memref<1x!tpu.dma_semaphore, #tpu.memory_space<semaphore_mem>>
    %dma_start3A_75 = tpu.memref_squeeze %dma_start3A_74 : memref<1x!tpu.dma_semaphore, #tpu.memory_space<semaphore_mem>> -> memref<!tpu.dma_semaphore, #tpu.memory_space<semaphore_mem>>
    %dma_start3A_76 = arith.constant 6400 : i32
    %dma_start3A_77 = tpu.memref_slice %arg8[%dma_start3A_76] : memref<12800xf32, #tpu.memory_space<vmem>> -> memref<3200xf32, #tpu.memory_space<vmem>>
    %dma_start3A_78 = tpu.memref_slice %arg2[%add3A_69] : memref<204800xf32, #tpu.memory_space<hbm>> -> memref<3200xf32, #tpu.memory_space<hbm>>
    tpu.enqueue_dma source(%dma_start3A_78 : memref<3200xf32, #tpu.memory_space<hbm>>) target(%dma_start3A_77 : memref<3200xf32, #tpu.memory_space<vmem>>) target_semaphore(%dma_start3A_75 : memref<!tpu.dma_semaphore, #tpu.memory_space<semaphore_mem>>)
    %add3A_79 = arith.constant 9600 : i32
    %add3A_80 = arith.addi %mul3A_0, %add3A_79 : i32
    %dma_start3A_81 = arith.constant 7 : i32
    %dma_start3A_82 = arith.constant 9600 : i32
    %dma_start3A_83 = tpu.memref_slice %arg8[%dma_start3A_82] : memref<12800xf32, #tpu.memory_space<vmem>> -> memref<3200xf32, #tpu.memory_space<vmem>>
    %dma_start3A_84 = tpu.memref_slice %arg2[%add3A_80] : memref<204800xf32, #tpu.memory_space<hbm>> -> memref<3200xf32, #tpu.memory_space<hbm>>
    %dma_start3A_85 = tpu.memref_slice %arg9[%dma_start3A_81] : memref<9x!tpu.dma_semaphore, #tpu.memory_space<semaphore_mem>> -> memref<1x!tpu.dma_semaphore, #tpu.memory_space<semaphore_mem>>
    %dma_start3A_86 = tpu.memref_squeeze %dma_start3A_85 : memref<1x!tpu.dma_semaphore, #tpu.memory_space<semaphore_mem>> -> memref<!tpu.dma_semaphore, #tpu.memory_space<semaphore_mem>>
    %dma_start3A_87 = arith.constant 9600 : i32
    %dma_start3A_88 = tpu.memref_slice %arg8[%dma_start3A_87] : memref<12800xf32, #tpu.memory_space<vmem>> -> memref<3200xf32, #tpu.memory_space<vmem>>
    %dma_start3A_89 = tpu.memref_slice %arg2[%add3A_80] : memref<204800xf32, #tpu.memory_space<hbm>> -> memref<3200xf32, #tpu.memory_space<hbm>>
    tpu.enqueue_dma source(%dma_start3A_89 : memref<3200xf32, #tpu.memory_space<hbm>>) target(%dma_start3A_88 : memref<3200xf32, #tpu.memory_space<vmem>>) target_semaphore(%dma_start3A_86 : memref<!tpu.dma_semaphore, #tpu.memory_space<semaphore_mem>>)
    %dma_wait3A = arith.constant 8 : i32
    %dma_wait3A_90 = tpu.memref_slice %arg9[%dma_wait3A] : memref<9x!tpu.dma_semaphore, #tpu.memory_space<semaphore_mem>> -> memref<1x!tpu.dma_semaphore, #tpu.memory_space<semaphore_mem>>
    %dma_wait3A_91 = tpu.memref_squeeze %dma_wait3A_90 : memref<1x!tpu.dma_semaphore, #tpu.memory_space<semaphore_mem>> -> memref<!tpu.dma_semaphore, #tpu.memory_space<semaphore_mem>>
    tpu.wait_dma2 semaphore(%dma_wait3A_91 : memref<!tpu.dma_semaphore, #tpu.memory_space<semaphore_mem>>) src(%arg3 : memref<128xf32, #tpu.memory_space<hbm>>) dst(%arg6 : memref<128xf32, #tpu.memory_space<vmem>>)
    %dma_wait3A_92 = arith.constant 0 : i32
    %dma_wait3A_93 = arith.constant 0 : i32
    %dma_wait3A_94 = tpu.memref_slice %arg7[%dma_wait3A_93] : memref<12800xi32, #tpu.memory_space<vmem>> -> memref<3200xi32, #tpu.memory_space<vmem>>
    %dma_wait3A_95 = tpu.memref_slice %arg4[%add3A_3] : memref<204800xi32, #tpu.memory_space<hbm>> -> memref<3200xi32, #tpu.memory_space<hbm>>
    %dma_wait3A_96 = tpu.memref_slice %arg9[%dma_wait3A_92] : memref<9x!tpu.dma_semaphore, #tpu.memory_space<semaphore_mem>> -> memref<1x!tpu.dma_semaphore, #tpu.memory_space<semaphore_mem>>
    %dma_wait3A_97 = tpu.memref_squeeze %dma_wait3A_96 : memref<1x!tpu.dma_semaphore, #tpu.memory_space<semaphore_mem>> -> memref<!tpu.dma_semaphore, #tpu.memory_space<semaphore_mem>>
    %dma_wait3A_98 = arith.constant 0 : i32
    %dma_wait3A_99 = tpu.memref_slice %arg7[%dma_wait3A_98] : memref<12800xi32, #tpu.memory_space<vmem>> -> memref<3200xi32, #tpu.memory_space<vmem>>
    %dma_wait3A_100 = tpu.memref_slice %arg4[%add3A_3] : memref<204800xi32, #tpu.memory_space<hbm>> -> memref<3200xi32, #tpu.memory_space<hbm>>
    tpu.wait_dma2 semaphore(%dma_wait3A_97 : memref<!tpu.dma_semaphore, #tpu.memory_space<semaphore_mem>>) src(%dma_wait3A_100 : memref<3200xi32, #tpu.memory_space<hbm>>) dst(%dma_wait3A_99 : memref<3200xi32, #tpu.memory_space<vmem>>)
    %dma_wait3A_101 = arith.constant 4 : i32
    %dma_wait3A_102 = arith.constant 0 : i32
    %dma_wait3A_103 = tpu.memref_slice %arg8[%dma_wait3A_102] : memref<12800xf32, #tpu.memory_space<vmem>> -> memref<3200xf32, #tpu.memory_space<vmem>>
    %dma_wait3A_104 = tpu.memref_slice %arg2[%add3A_47] : memref<204800xf32, #tpu.memory_space<hbm>> -> memref<3200xf32, #tpu.memory_space<hbm>>
    %dma_wait3A_105 = tpu.memref_slice %arg9[%dma_wait3A_101] : memref<9x!tpu.dma_semaphore, #tpu.memory_space<semaphore_mem>> -> memref<1x!tpu.dma_semaphore, #tpu.memory_space<semaphore_mem>>
    %dma_wait3A_106 = tpu.memref_squeeze %dma_wait3A_105 : memref<1x!tpu.dma_semaphore, #tpu.memory_space<semaphore_mem>> -> memref<!tpu.dma_semaphore, #tpu.memory_space<semaphore_mem>>
    %dma_wait3A_107 = arith.constant 0 : i32
    %dma_wait3A_108 = tpu.memref_slice %arg8[%dma_wait3A_107] : memref<12800xf32, #tpu.memory_space<vmem>> -> memref<3200xf32, #tpu.memory_space<vmem>>
    %dma_wait3A_109 = tpu.memref_slice %arg2[%add3A_47] : memref<204800xf32, #tpu.memory_space<hbm>> -> memref<3200xf32, #tpu.memory_space<hbm>>
    tpu.wait_dma2 semaphore(%dma_wait3A_106 : memref<!tpu.dma_semaphore, #tpu.memory_space<semaphore_mem>>) src(%dma_wait3A_109 : memref<3200xf32, #tpu.memory_space<hbm>>) dst(%dma_wait3A_108 : memref<3200xf32, #tpu.memory_space<vmem>>)
    %parallel_loop3A = arith.constant 0 : i32
    %parallel_loop3A_110 = arith.constant 3200 : i32
    %parallel_loop3A_111 = arith.constant 16 : i32
    scf.for %parallel_loop3A_255 = %parallel_loop3A to %parallel_loop3A_110 step %parallel_loop3A_111  : i32 {
      %parallel_loop3A_256 = arith.index_cast %parallel_loop3A_255 : i32 to index
      %parallel_loop3A_257 = tpu.vector_load %arg7[%parallel_loop3A_256] {strides = array<i32>} : memref<12800xi32, #tpu.memory_space<vmem>>, vector<16xi32>,
      %parallel_loop3A_258 = tpu.vector_load_idx %arg6[%parallel_loop3A_257] : memref<128xf32, #tpu.memory_space<vmem>>[vector<16xi32>], vector<16xf32>,
      %parallel_loop3A_259 = arith.index_cast %parallel_loop3A_255 : i32 to index
      %parallel_loop3A_260 = tpu.vector_load %arg8[%parallel_loop3A_259] {strides = array<i32>} : memref<12800xf32, #tpu.memory_space<vmem>>, vector<16xf32>,
      tpu.vector_store %arg8[%parallel_loop3A_259], %parallel_loop3A_258 {add = true, strides = array<i32>} : memref<12800xf32, #tpu.memory_space<vmem>>, vector<16xf32>,
    } {sc.loop_unroll_factor = 8 : i64, sc.parallel_access}
    %add3A_112 = arith.constant 0 : i32
    %add3A_113 = arith.addi %mul3A_0, %add3A_112 : i32
    %dma_start3A_114 = arith.constant 0 : i32
    %dma_start3A_115 = arith.constant 0 : i32
    %dma_start3A_116 = tpu.memref_slice %arg8[%dma_start3A_115] : memref<12800xf32, #tpu.memory_space<vmem>> -> memref<3200xf32, #tpu.memory_space<vmem>>
    %dma_start3A_117 = tpu.memref_slice %arg5[%add3A_113] : memref<204800xf32, #tpu.memory_space<hbm>> -> memref<3200xf32, #tpu.memory_space<hbm>>
    %dma_start3A_118 = tpu.memref_slice %arg9[%dma_start3A_114] : memref<9x!tpu.dma_semaphore, #tpu.memory_space<semaphore_mem>> -> memref<1x!tpu.dma_semaphore, #tpu.memory_space<semaphore_mem>>
    %dma_start3A_119 = tpu.memref_squeeze %dma_start3A_118 : memref<1x!tpu.dma_semaphore, #tpu.memory_space<semaphore_mem>> -> memref<!tpu.dma_semaphore, #tpu.memory_space<semaphore_mem>>
    %dma_start3A_120 = tpu.memref_slice %arg5[%add3A_113] : memref<204800xf32, #tpu.memory_space<hbm>> -> memref<3200xf32, #tpu.memory_space<hbm>>
    %dma_start3A_121 = arith.constant 0 : i32
    %dma_start3A_122 = tpu.memref_slice %arg8[%dma_start3A_121] : memref<12800xf32, #tpu.memory_space<vmem>> -> memref<3200xf32, #tpu.memory_space<vmem>>
    tpu.enqueue_dma source(%dma_start3A_122 : memref<3200xf32, #tpu.memory_space<vmem>>) target(%dma_start3A_120 : memref<3200xf32, #tpu.memory_space<hbm>>) target_semaphore(%dma_start3A_119 : memref<!tpu.dma_semaphore, #tpu.memory_space<semaphore_mem>>)
    %dma_wait3A_123 = arith.constant 1 : i32
    %dma_wait3A_124 = arith.constant 3200 : i32
    %dma_wait3A_125 = tpu.memref_slice %arg7[%dma_wait3A_124] : memref<12800xi32, #tpu.memory_space<vmem>> -> memref<3200xi32, #tpu.memory_space<vmem>>
    %dma_wait3A_126 = tpu.memref_slice %arg4[%add3A_14] : memref<204800xi32, #tpu.memory_space<hbm>> -> memref<3200xi32, #tpu.memory_space<hbm>>
    %dma_wait3A_127 = tpu.memref_slice %arg9[%dma_wait3A_123] : memref<9x!tpu.dma_semaphore, #tpu.memory_space<semaphore_mem>> -> memref<1x!tpu.dma_semaphore, #tpu.memory_space<semaphore_mem>>
    %dma_wait3A_128 = tpu.memref_squeeze %dma_wait3A_127 : memref<1x!tpu.dma_semaphore, #tpu.memory_space<semaphore_mem>> -> memref<!tpu.dma_semaphore, #tpu.memory_space<semaphore_mem>>
    %dma_wait3A_129 = arith.constant 3200 : i32
    %dma_wait3A_130 = tpu.memref_slice %arg7[%dma_wait3A_129] : memref<12800xi32, #tpu.memory_space<vmem>> -> memref<3200xi32, #tpu.memory_space<vmem>>
    %dma_wait3A_131 = tpu.memref_slice %arg4[%add3A_14] : memref<204800xi32, #tpu.memory_space<hbm>> -> memref<3200xi32, #tpu.memory_space<hbm>>
    tpu.wait_dma2 semaphore(%dma_wait3A_128 : memref<!tpu.dma_semaphore, #tpu.memory_space<semaphore_mem>>) src(%dma_wait3A_131 : memref<3200xi32, #tpu.memory_space<hbm>>) dst(%dma_wait3A_130 : memref<3200xi32, #tpu.memory_space<vmem>>)
    %dma_wait3A_132 = arith.constant 5 : i32
    %dma_wait3A_133 = arith.constant 3200 : i32
    %dma_wait3A_134 = tpu.memref_slice %arg8[%dma_wait3A_133] : memref<12800xf32, #tpu.memory_space<vmem>> -> memref<3200xf32, #tpu.memory_space<vmem>>
    %dma_wait3A_135 = tpu.memref_slice %arg2[%add3A_58] : memref<204800xf32, #tpu.memory_space<hbm>> -> memref<3200xf32, #tpu.memory_space<hbm>>
    %dma_wait3A_136 = tpu.memref_slice %arg9[%dma_wait3A_132] : memref<9x!tpu.dma_semaphore, #tpu.memory_space<semaphore_mem>> -> memref<1x!tpu.dma_semaphore, #tpu.memory_space<semaphore_mem>>
    %dma_wait3A_137 = tpu.memref_squeeze %dma_wait3A_136 : memref<1x!tpu.dma_semaphore, #tpu.memory_space<semaphore_mem>> -> memref<!tpu.dma_semaphore, #tpu.memory_space<semaphore_mem>>
    %dma_wait3A_138 = arith.constant 3200 : i32
    %dma_wait3A_139 = tpu.memref_slice %arg8[%dma_wait3A_138] : memref<12800xf32, #tpu.memory_space<vmem>> -> memref<3200xf32, #tpu.memory_space<vmem>>
    %dma_wait3A_140 = tpu.memref_slice %arg2[%add3A_58] : memref<204800xf32, #tpu.memory_space<hbm>> -> memref<3200xf32, #tpu.memory_space<hbm>>
    tpu.wait_dma2 semaphore(%dma_wait3A_137 : memref<!tpu.dma_semaphore, #tpu.memory_space<semaphore_mem>>) src(%dma_wait3A_140 : memref<3200xf32, #tpu.memory_space<hbm>>) dst(%dma_wait3A_139 : memref<3200xf32, #tpu.memory_space<vmem>>)
    %parallel_loop3A_141 = arith.constant 3200 : i32
    %parallel_loop3A_142 = arith.constant 6400 : i32
    %parallel_loop3A_143 = arith.constant 16 : i32
    scf.for %parallel_loop3A_255 = %parallel_loop3A_141 to %parallel_loop3A_142 step %parallel_loop3A_143  : i32 {
      %parallel_loop3A_256 = arith.index_cast %parallel_loop3A_255 : i32 to index
      %parallel_loop3A_257 = tpu.vector_load %arg7[%parallel_loop3A_256] {strides = array<i32>} : memref<12800xi32, #tpu.memory_space<vmem>>, vector<16xi32>,
      %parallel_loop3A_258 = tpu.vector_load_idx %arg6[%parallel_loop3A_257] : memref<128xf32, #tpu.memory_space<vmem>>[vector<16xi32>], vector<16xf32>,
      %parallel_loop3A_259 = arith.index_cast %parallel_loop3A_255 : i32 to index
      %parallel_loop3A_260 = tpu.vector_load %arg8[%parallel_loop3A_259] {strides = array<i32>} : memref<12800xf32, #tpu.memory_space<vmem>>, vector<16xf32>,
      tpu.vector_store %arg8[%parallel_loop3A_259], %parallel_loop3A_258 {add = true, strides = array<i32>} : memref<12800xf32, #tpu.memory_space<vmem>>, vector<16xf32>,
    } {sc.loop_unroll_factor = 8 : i64, sc.parallel_access}
    %add3A_144 = arith.constant 3200 : i32
    %add3A_145 = arith.addi %mul3A_0, %add3A_144 : i32
    %dma_start3A_146 = arith.constant 1 : i32
    %dma_start3A_147 = arith.constant 3200 : i32
    %dma_start3A_148 = tpu.memref_slice %arg8[%dma_start3A_147] : memref<12800xf32, #tpu.memory_space<vmem>> -> memref<3200xf32, #tpu.memory_space<vmem>>
    %dma_start3A_149 = tpu.memref_slice %arg5[%add3A_145] : memref<204800xf32, #tpu.memory_space<hbm>> -> memref<3200xf32, #tpu.memory_space<hbm>>
    %dma_start3A_150 = tpu.memref_slice %arg9[%dma_start3A_146] : memref<9x!tpu.dma_semaphore, #tpu.memory_space<semaphore_mem>> -> memref<1x!tpu.dma_semaphore, #tpu.memory_space<semaphore_mem>>
    %dma_start3A_151 = tpu.memref_squeeze %dma_start3A_150 : memref<1x!tpu.dma_semaphore, #tpu.memory_space<semaphore_mem>> -> memref<!tpu.dma_semaphore, #tpu.memory_space<semaphore_mem>>
    %dma_start3A_152 = tpu.memref_slice %arg5[%add3A_145] : memref<204800xf32, #tpu.memory_space<hbm>> -> memref<3200xf32, #tpu.memory_space<hbm>>
    %dma_start3A_153 = arith.constant 3200 : i32
    %dma_start3A_154 = tpu.memref_slice %arg8[%dma_start3A_153] : memref<12800xf32, #tpu.memory_space<vmem>> -> memref<3200xf32, #tpu.memory_space<vmem>>
    tpu.enqueue_dma source(%dma_start3A_154 : memref<3200xf32, #tpu.memory_space<vmem>>) target(%dma_start3A_152 : memref<3200xf32, #tpu.memory_space<hbm>>) target_semaphore(%dma_start3A_151 : memref<!tpu.dma_semaphore, #tpu.memory_space<semaphore_mem>>)
    %dma_wait3A_155 = arith.constant 2 : i32
    %dma_wait3A_156 = arith.constant 6400 : i32
    %dma_wait3A_157 = tpu.memref_slice %arg7[%dma_wait3A_156] : memref<12800xi32, #tpu.memory_space<vmem>> -> memref<3200xi32, #tpu.memory_space<vmem>>
    %dma_wait3A_158 = tpu.memref_slice %arg4[%add3A_25] : memref<204800xi32, #tpu.memory_space<hbm>> -> memref<3200xi32, #tpu.memory_space<hbm>>
    %dma_wait3A_159 = tpu.memref_slice %arg9[%dma_wait3A_155] : memref<9x!tpu.dma_semaphore, #tpu.memory_space<semaphore_mem>> -> memref<1x!tpu.dma_semaphore, #tpu.memory_space<semaphore_mem>>
    %dma_wait3A_160 = tpu.memref_squeeze %dma_wait3A_159 : memref<1x!tpu.dma_semaphore, #tpu.memory_space<semaphore_mem>> -> memref<!tpu.dma_semaphore, #tpu.memory_space<semaphore_mem>>
    %dma_wait3A_161 = arith.constant 6400 : i32
    %dma_wait3A_162 = tpu.memref_slice %arg7[%dma_wait3A_161] : memref<12800xi32, #tpu.memory_space<vmem>> -> memref<3200xi32, #tpu.memory_space<vmem>>
    %dma_wait3A_163 = tpu.memref_slice %arg4[%add3A_25] : memref<204800xi32, #tpu.memory_space<hbm>> -> memref<3200xi32, #tpu.memory_space<hbm>>
    tpu.wait_dma2 semaphore(%dma_wait3A_160 : memref<!tpu.dma_semaphore, #tpu.memory_space<semaphore_mem>>) src(%dma_wait3A_163 : memref<3200xi32, #tpu.memory_space<hbm>>) dst(%dma_wait3A_162 : memref<3200xi32, #tpu.memory_space<vmem>>)
    %dma_wait3A_164 = arith.constant 6 : i32
    %dma_wait3A_165 = arith.constant 6400 : i32
    %dma_wait3A_166 = tpu.memref_slice %arg8[%dma_wait3A_165] : memref<12800xf32, #tpu.memory_space<vmem>> -> memref<3200xf32, #tpu.memory_space<vmem>>
    %dma_wait3A_167 = tpu.memref_slice %arg2[%add3A_69] : memref<204800xf32, #tpu.memory_space<hbm>> -> memref<3200xf32, #tpu.memory_space<hbm>>
    %dma_wait3A_168 = tpu.memref_slice %arg9[%dma_wait3A_164] : memref<9x!tpu.dma_semaphore, #tpu.memory_space<semaphore_mem>> -> memref<1x!tpu.dma_semaphore, #tpu.memory_space<semaphore_mem>>
    %dma_wait3A_169 = tpu.memref_squeeze %dma_wait3A_168 : memref<1x!tpu.dma_semaphore, #tpu.memory_space<semaphore_mem>> -> memref<!tpu.dma_semaphore, #tpu.memory_space<semaphore_mem>>
    %dma_wait3A_170 = arith.constant 6400 : i32
    %dma_wait3A_171 = tpu.memref_slice %arg8[%dma_wait3A_170] : memref<12800xf32, #tpu.memory_space<vmem>> -> memref<3200xf32, #tpu.memory_space<vmem>>
    %dma_wait3A_172 = tpu.memref_slice %arg2[%add3A_69] : memref<204800xf32, #tpu.memory_space<hbm>> -> memref<3200xf32, #tpu.memory_space<hbm>>
    tpu.wait_dma2 semaphore(%dma_wait3A_169 : memref<!tpu.dma_semaphore, #tpu.memory_space<semaphore_mem>>) src(%dma_wait3A_172 : memref<3200xf32, #tpu.memory_space<hbm>>) dst(%dma_wait3A_171 : memref<3200xf32, #tpu.memory_space<vmem>>)
    %parallel_loop3A_173 = arith.constant 6400 : i32
    %parallel_loop3A_174 = arith.constant 9600 : i32
    %parallel_loop3A_175 = arith.constant 16 : i32
    scf.for %parallel_loop3A_255 = %parallel_loop3A_173 to %parallel_loop3A_174 step %parallel_loop3A_175  : i32 {
      %parallel_loop3A_256 = arith.index_cast %parallel_loop3A_255 : i32 to index
      %parallel_loop3A_257 = tpu.vector_load %arg7[%parallel_loop3A_256] {strides = array<i32>} : memref<12800xi32, #tpu.memory_space<vmem>>, vector<16xi32>,
      %parallel_loop3A_258 = tpu.vector_load_idx %arg6[%parallel_loop3A_257] : memref<128xf32, #tpu.memory_space<vmem>>[vector<16xi32>], vector<16xf32>,
      %parallel_loop3A_259 = arith.index_cast %parallel_loop3A_255 : i32 to index
      %parallel_loop3A_260 = tpu.vector_load %arg8[%parallel_loop3A_259] {strides = array<i32>} : memref<12800xf32, #tpu.memory_space<vmem>>, vector<16xf32>,
      tpu.vector_store %arg8[%parallel_loop3A_259], %parallel_loop3A_258 {add = true, strides = array<i32>} : memref<12800xf32, #tpu.memory_space<vmem>>, vector<16xf32>,
    } {sc.loop_unroll_factor = 8 : i64, sc.parallel_access}
    %add3A_176 = arith.constant 6400 : i32
    %add3A_177 = arith.addi %mul3A_0, %add3A_176 : i32
    %dma_start3A_178 = arith.constant 2 : i32
    %dma_start3A_179 = arith.constant 6400 : i32
    %dma_start3A_180 = tpu.memref_slice %arg8[%dma_start3A_179] : memref<12800xf32, #tpu.memory_space<vmem>> -> memref<3200xf32, #tpu.memory_space<vmem>>
    %dma_start3A_181 = tpu.memref_slice %arg5[%add3A_177] : memref<204800xf32, #tpu.memory_space<hbm>> -> memref<3200xf32, #tpu.memory_space<hbm>>
    %dma_start3A_182 = tpu.memref_slice %arg9[%dma_start3A_178] : memref<9x!tpu.dma_semaphore, #tpu.memory_space<semaphore_mem>> -> memref<1x!tpu.dma_semaphore, #tpu.memory_space<semaphore_mem>>
    %dma_start3A_183 = tpu.memref_squeeze %dma_start3A_182 : memref<1x!tpu.dma_semaphore, #tpu.memory_space<semaphore_mem>> -> memref<!tpu.dma_semaphore, #tpu.memory_space<semaphore_mem>>
    %dma_start3A_184 = tpu.memref_slice %arg5[%add3A_177] : memref<204800xf32, #tpu.memory_space<hbm>> -> memref<3200xf32, #tpu.memory_space<hbm>>
    %dma_start3A_185 = arith.constant 6400 : i32
    %dma_start3A_186 = tpu.memref_slice %arg8[%dma_start3A_185] : memref<12800xf32, #tpu.memory_space<vmem>> -> memref<3200xf32, #tpu.memory_space<vmem>>
    tpu.enqueue_dma source(%dma_start3A_186 : memref<3200xf32, #tpu.memory_space<vmem>>) target(%dma_start3A_184 : memref<3200xf32, #tpu.memory_space<hbm>>) target_semaphore(%dma_start3A_183 : memref<!tpu.dma_semaphore, #tpu.memory_space<semaphore_mem>>)
    %dma_wait3A_187 = arith.constant 3 : i32
    %dma_wait3A_188 = arith.constant 9600 : i32
    %dma_wait3A_189 = tpu.memref_slice %arg7[%dma_wait3A_188] : memref<12800xi32, #tpu.memory_space<vmem>> -> memref<3200xi32, #tpu.memory_space<vmem>>
    %dma_wait3A_190 = tpu.memref_slice %arg4[%add3A_36] : memref<204800xi32, #tpu.memory_space<hbm>> -> memref<3200xi32, #tpu.memory_space<hbm>>
    %dma_wait3A_191 = tpu.memref_slice %arg9[%dma_wait3A_187] : memref<9x!tpu.dma_semaphore, #tpu.memory_space<semaphore_mem>> -> memref<1x!tpu.dma_semaphore, #tpu.memory_space<semaphore_mem>>
    %dma_wait3A_192 = tpu.memref_squeeze %dma_wait3A_191 : memref<1x!tpu.dma_semaphore, #tpu.memory_space<semaphore_mem>> -> memref<!tpu.dma_semaphore, #tpu.memory_space<semaphore_mem>>
    %dma_wait3A_193 = arith.constant 9600 : i32
    %dma_wait3A_194 = tpu.memref_slice %arg7[%dma_wait3A_193] : memref<12800xi32, #tpu.memory_space<vmem>> -> memref<3200xi32, #tpu.memory_space<vmem>>
    %dma_wait3A_195 = tpu.memref_slice %arg4[%add3A_36] : memref<204800xi32, #tpu.memory_space<hbm>> -> memref<3200xi32, #tpu.memory_space<hbm>>
    tpu.wait_dma2 semaphore(%dma_wait3A_192 : memref<!tpu.dma_semaphore, #tpu.memory_space<semaphore_mem>>) src(%dma_wait3A_195 : memref<3200xi32, #tpu.memory_space<hbm>>) dst(%dma_wait3A_194 : memref<3200xi32, #tpu.memory_space<vmem>>)
    %dma_wait3A_196 = arith.constant 7 : i32
    %dma_wait3A_197 = arith.constant 9600 : i32
    %dma_wait3A_198 = tpu.memref_slice %arg8[%dma_wait3A_197] : memref<12800xf32, #tpu.memory_space<vmem>> -> memref<3200xf32, #tpu.memory_space<vmem>>
    %dma_wait3A_199 = tpu.memref_slice %arg2[%add3A_80] : memref<204800xf32, #tpu.memory_space<hbm>> -> memref<3200xf32, #tpu.memory_space<hbm>>
    %dma_wait3A_200 = tpu.memref_slice %arg9[%dma_wait3A_196] : memref<9x!tpu.dma_semaphore, #tpu.memory_space<semaphore_mem>> -> memref<1x!tpu.dma_semaphore, #tpu.memory_space<semaphore_mem>>
    %dma_wait3A_201 = tpu.memref_squeeze %dma_wait3A_200 : memref<1x!tpu.dma_semaphore, #tpu.memory_space<semaphore_mem>> -> memref<!tpu.dma_semaphore, #tpu.memory_space<semaphore_mem>>
    %dma_wait3A_202 = arith.constant 9600 : i32
    %dma_wait3A_203 = tpu.memref_slice %arg8[%dma_wait3A_202] : memref<12800xf32, #tpu.memory_space<vmem>> -> memref<3200xf32, #tpu.memory_space<vmem>>
    %dma_wait3A_204 = tpu.memref_slice %arg2[%add3A_80] : memref<204800xf32, #tpu.memory_space<hbm>> -> memref<3200xf32, #tpu.memory_space<hbm>>
    tpu.wait_dma2 semaphore(%dma_wait3A_201 : memref<!tpu.dma_semaphore, #tpu.memory_space<semaphore_mem>>) src(%dma_wait3A_204 : memref<3200xf32, #tpu.memory_space<hbm>>) dst(%dma_wait3A_203 : memref<3200xf32, #tpu.memory_space<vmem>>)
    %parallel_loop3A_205 = arith.constant 9600 : i32
    %parallel_loop3A_206 = arith.constant 12800 : i32
    %parallel_loop3A_207 = arith.constant 16 : i32
    scf.for %parallel_loop3A_255 = %parallel_loop3A_205 to %parallel_loop3A_206 step %parallel_loop3A_207  : i32 {
      %parallel_loop3A_256 = arith.index_cast %parallel_loop3A_255 : i32 to index
      %parallel_loop3A_257 = tpu.vector_load %arg7[%parallel_loop3A_256] {strides = array<i32>} : memref<12800xi32, #tpu.memory_space<vmem>>, vector<16xi32>,
      %parallel_loop3A_258 = tpu.vector_load_idx %arg6[%parallel_loop3A_257] : memref<128xf32, #tpu.memory_space<vmem>>[vector<16xi32>], vector<16xf32>,
      %parallel_loop3A_259 = arith.index_cast %parallel_loop3A_255 : i32 to index
      %parallel_loop3A_260 = tpu.vector_load %arg8[%parallel_loop3A_259] {strides = array<i32>} : memref<12800xf32, #tpu.memory_space<vmem>>, vector<16xf32>,
      tpu.vector_store %arg8[%parallel_loop3A_259], %parallel_loop3A_258 {add = true, strides = array<i32>} : memref<12800xf32, #tpu.memory_space<vmem>>, vector<16xf32>,
    } {sc.loop_unroll_factor = 8 : i64, sc.parallel_access}
    %add3A_208 = arith.constant 9600 : i32
    %add3A_209 = arith.addi %mul3A_0, %add3A_208 : i32
    %dma_start3A_210 = arith.constant 3 : i32
    %dma_start3A_211 = arith.constant 9600 : i32
    %dma_start3A_212 = tpu.memref_slice %arg8[%dma_start3A_211] : memref<12800xf32, #tpu.memory_space<vmem>> -> memref<3200xf32, #tpu.memory_space<vmem>>
    %dma_start3A_213 = tpu.memref_slice %arg5[%add3A_209] : memref<204800xf32, #tpu.memory_space<hbm>> -> memref<3200xf32, #tpu.memory_space<hbm>>
    %dma_start3A_214 = tpu.memref_slice %arg9[%dma_start3A_210] : memref<9x!tpu.dma_semaphore, #tpu.memory_space<semaphore_mem>> -> memref<1x!tpu.dma_semaphore, #tpu.memory_space<semaphore_mem>>
    %dma_start3A_215 = tpu.memref_squeeze %dma_start3A_214 : memref<1x!tpu.dma_semaphore, #tpu.memory_space<semaphore_mem>> -> memref<!tpu.dma_semaphore, #tpu.memory_space<semaphore_mem>>
    %dma_start3A_216 = tpu.memref_slice %arg5[%add3A_209] : memref<204800xf32, #tpu.memory_space<hbm>> -> memref<3200xf32, #tpu.memory_space<hbm>>
    %dma_start3A_217 = arith.constant 9600 : i32
    %dma_start3A_218 = tpu.memref_slice %arg8[%dma_start3A_217] : memref<12800xf32, #tpu.memory_space<vmem>> -> memref<3200xf32, #tpu.memory_space<vmem>>
    tpu.enqueue_dma source(%dma_start3A_218 : memref<3200xf32, #tpu.memory_space<vmem>>) target(%dma_start3A_216 : memref<3200xf32, #tpu.memory_space<hbm>>) target_semaphore(%dma_start3A_215 : memref<!tpu.dma_semaphore, #tpu.memory_space<semaphore_mem>>)
    %dma_wait3A_219 = arith.constant 0 : i32
    %dma_wait3A_220 = arith.constant 0 : i32
    %dma_wait3A_221 = tpu.memref_slice %arg8[%dma_wait3A_220] : memref<12800xf32, #tpu.memory_space<vmem>> -> memref<3200xf32, #tpu.memory_space<vmem>>
    %dma_wait3A_222 = tpu.memref_slice %arg5[%add3A_113] : memref<204800xf32, #tpu.memory_space<hbm>> -> memref<3200xf32, #tpu.memory_space<hbm>>
    %dma_wait3A_223 = tpu.memref_slice %arg9[%dma_wait3A_219] : memref<9x!tpu.dma_semaphore, #tpu.memory_space<semaphore_mem>> -> memref<1x!tpu.dma_semaphore, #tpu.memory_space<semaphore_mem>>
    %dma_wait3A_224 = tpu.memref_squeeze %dma_wait3A_223 : memref<1x!tpu.dma_semaphore, #tpu.memory_space<semaphore_mem>> -> memref<!tpu.dma_semaphore, #tpu.memory_space<semaphore_mem>>
    %dma_wait3A_225 = tpu.memref_slice %arg5[%add3A_113] : memref<204800xf32, #tpu.memory_space<hbm>> -> memref<3200xf32, #tpu.memory_space<hbm>>
    %dma_wait3A_226 = arith.constant 0 : i32
    %dma_wait3A_227 = tpu.memref_slice %arg8[%dma_wait3A_226] : memref<12800xf32, #tpu.memory_space<vmem>> -> memref<3200xf32, #tpu.memory_space<vmem>>
    tpu.wait_dma2 semaphore(%dma_wait3A_224 : memref<!tpu.dma_semaphore, #tpu.memory_space<semaphore_mem>>) src(%dma_wait3A_227 : memref<3200xf32, #tpu.memory_space<vmem>>) dst(%dma_wait3A_225 : memref<3200xf32, #tpu.memory_space<hbm>>)
    %dma_wait3A_228 = arith.constant 1 : i32
    %dma_wait3A_229 = arith.constant 3200 : i32
    %dma_wait3A_230 = tpu.memref_slice %arg8[%dma_wait3A_229] : memref<12800xf32, #tpu.memory_space<vmem>> -> memref<3200xf32, #tpu.memory_space<vmem>>
    %dma_wait3A_231 = tpu.memref_slice %arg5[%add3A_145] : memref<204800xf32, #tpu.memory_space<hbm>> -> memref<3200xf32, #tpu.memory_space<hbm>>
    %dma_wait3A_232 = tpu.memref_slice %arg9[%dma_wait3A_228] : memref<9x!tpu.dma_semaphore, #tpu.memory_space<semaphore_mem>> -> memref<1x!tpu.dma_semaphore, #tpu.memory_space<semaphore_mem>>
    %dma_wait3A_233 = tpu.memref_squeeze %dma_wait3A_232 : memref<1x!tpu.dma_semaphore, #tpu.memory_space<semaphore_mem>> -> memref<!tpu.dma_semaphore, #tpu.memory_space<semaphore_mem>>
    %dma_wait3A_234 = tpu.memref_slice %arg5[%add3A_145] : memref<204800xf32, #tpu.memory_space<hbm>> -> memref<3200xf32, #tpu.memory_space<hbm>>
    %dma_wait3A_235 = arith.constant 3200 : i32
    %dma_wait3A_236 = tpu.memref_slice %arg8[%dma_wait3A_235] : memref<12800xf32, #tpu.memory_space<vmem>> -> memref<3200xf32, #tpu.memory_space<vmem>>
    tpu.wait_dma2 semaphore(%dma_wait3A_233 : memref<!tpu.dma_semaphore, #tpu.memory_space<semaphore_mem>>) src(%dma_wait3A_236 : memref<3200xf32, #tpu.memory_space<vmem>>) dst(%dma_wait3A_234 : memref<3200xf32, #tpu.memory_space<hbm>>)
    %dma_wait3A_237 = arith.constant 2 : i32
    %dma_wait3A_238 = arith.constant 6400 : i32
    %dma_wait3A_239 = tpu.memref_slice %arg8[%dma_wait3A_238] : memref<12800xf32, #tpu.memory_space<vmem>> -> memref<3200xf32, #tpu.memory_space<vmem>>
    %dma_wait3A_240 = tpu.memref_slice %arg5[%add3A_177] : memref<204800xf32, #tpu.memory_space<hbm>> -> memref<3200xf32, #tpu.memory_space<hbm>>
    %dma_wait3A_241 = tpu.memref_slice %arg9[%dma_wait3A_237] : memref<9x!tpu.dma_semaphore, #tpu.memory_space<semaphore_mem>> -> memref<1x!tpu.dma_semaphore, #tpu.memory_space<semaphore_mem>>
    %dma_wait3A_242 = tpu.memref_squeeze %dma_wait3A_241 : memref<1x!tpu.dma_semaphore, #tpu.memory_space<semaphore_mem>> -> memref<!tpu.dma_semaphore, #tpu.memory_space<semaphore_mem>>
    %dma_wait3A_243 = tpu.memref_slice %arg5[%add3A_177] : memref<204800xf32, #tpu.memory_space<hbm>> -> memref<3200xf32, #tpu.memory_space<hbm>>
    %dma_wait3A_244 = arith.constant 6400 : i32
    %dma_wait3A_245 = tpu.memref_slice %arg8[%dma_wait3A_244] : memref<12800xf32, #tpu.memory_space<vmem>> -> memref<3200xf32, #tpu.memory_space<vmem>>
    tpu.wait_dma2 semaphore(%dma_wait3A_242 : memref<!tpu.dma_semaphore, #tpu.memory_space<semaphore_mem>>) src(%dma_wait3A_245 : memref<3200xf32, #tpu.memory_space<vmem>>) dst(%dma_wait3A_243 : memref<3200xf32, #tpu.memory_space<hbm>>)
    %dma_wait3A_246 = arith.constant 3 : i32
    %dma_wait3A_247 = arith.constant 9600 : i32
    %dma_wait3A_248 = tpu.memref_slice %arg8[%dma_wait3A_247] : memref<12800xf32, #tpu.memory_space<vmem>> -> memref<3200xf32, #tpu.memory_space<vmem>>
    %dma_wait3A_249 = tpu.memref_slice %arg5[%add3A_209] : memref<204800xf32, #tpu.memory_space<hbm>> -> memref<3200xf32, #tpu.memory_space<hbm>>
    %dma_wait3A_250 = tpu.memref_slice %arg9[%dma_wait3A_246] : memref<9x!tpu.dma_semaphore, #tpu.memory_space<semaphore_mem>> -> memref<1x!tpu.dma_semaphore, #tpu.memory_space<semaphore_mem>>
    %dma_wait3A_251 = tpu.memref_squeeze %dma_wait3A_250 : memref<1x!tpu.dma_semaphore, #tpu.memory_space<semaphore_mem>> -> memref<!tpu.dma_semaphore, #tpu.memory_space<semaphore_mem>>
    %dma_wait3A_252 = tpu.memref_slice %arg5[%add3A_209] : memref<204800xf32, #tpu.memory_space<hbm>> -> memref<3200xf32, #tpu.memory_space<hbm>>
    %dma_wait3A_253 = arith.constant 9600 : i32
    %dma_wait3A_254 = tpu.memref_slice %arg8[%dma_wait3A_253] : memref<12800xf32, #tpu.memory_space<vmem>> -> memref<3200xf32, #tpu.memory_space<vmem>>
    tpu.wait_dma2 semaphore(%dma_wait3A_251 : memref<!tpu.dma_semaphore, #tpu.memory_space<semaphore_mem>>) src(%dma_wait3A_254 : memref<3200xf32, #tpu.memory_space<vmem>>) dst(%dma_wait3A_252 : memref<3200xf32, #tpu.memory_space<hbm>>)
    return
  }
}

</mosaic_0001>

<sc_bundles>
// kernel: _run.3.cloned.1.call-start
scs
__scs_entry_jumppad:
0x0: {  	(pc) =	sbr.rel $0x88, $3  }
0x1: {  	(tag) =	ssettag $0x0;
	lr =	simm.s32 $0x1  }
0x2: {  	[smem:$0x3F9E] =	sst lr;
	_ =	strace $0xD0000000  }
0x3: {  	_ = 	snop  }
0x4: {  	_ = 	snop  }
0x5: {  	_ = 	snop  }
0x6: {  	_ = 	snop  }
0x7: {  	_ = 	snop  }
__scs_overlays_trampoline_lowered:
0x8: {  	[smem:$0x3FAD] =	sst s0  }
0x9: {  	[smem:$0x3FAE] =	sst s1  }
0xa: {  	[smem:$0x3FAF] =	sst s2  }
0xb: {  	[smem:$0x3FB0] =	sst s3  }
0xc: {  	[smem:$0x3FB1] =	sst s4  }
0xd: {  	[smem:$0x3FB2] =	sst s5  }
0xe: {  	[smem:$0x3FB3] =	sst s6  }
0xf: {  	[smem:$0x3FB4] =	sst s7  }
0x10: {  	[smem:$0x3FB5] =	sst s8  }
0x11: {  	[smem:$0x3FB6] =	sst s9;
	s0 =	simm.s32 @!p0 $0x0  }
0x12: {  	s1 =	sld [smem:$0x3F9C];
	s0 =	simm.s32 @p0 $0x1  }
0x13: {  	[smem:$0x3FB7] =	sst s0;
	s0 =	simm.s32 @!p1 $0x0  }
0x14: {  	s2 =	sld [smem:$0x3F9B];
	s0 =	simm.s32 @p1 $0x1  }
0x15: {  	[smem:$0x3FB8] =	sst s0;
	s0 =	simm.s32 @!p2 $0x0  }
0x16: {  	s3 =	sld [smem:$0x3FDB];
	s0 =	simm.s32 @p2 $0x1  }
0x17: {  	s4 =	simm.s32 $0x1BF5;
	[smem:$0x3FBA] =	sst s0  }
0x18: {  	s0 =	sld [smem:$0x3F9D];
	_ =	swait.ge [sflag:s4], $0x0  }
0x19: {  	s7 =	sld [smem:$0x3F9E]  }
0x1a: {  	s8 =	sadd.s32 $0xFFFFE003, lr  }
0x1b: {  	s9 =	sadd.s32 $0xFFFFFEF7, lr;
	s5 =	simm.s32 $0xFFFFFFFF;
	p2 =	slt.u32 s8, $0xFFFFF086  }
0x1c: {  	p1 =	slt.u32 s9, $0xF7A;
	s5 =	simm.s32 @!p2 $0x0  }
0x1d: {  	s5 =	simm.s32 @p1 $0x1;
	p0 =	seq.s32 s7, s2  }
0x1e: {  	s7 =	smul.u32 @!p0 $0xF7A, s2;
	p2 =	seq.s32 @!p0 s5, $0x0  }
0x1f: {  	s9 =	smul.u32 $0xF7A, s1;
	s8 =	simm.s32 @!p0 $0x1BF5;
	p2 =	por !p2, p0  }
0x20: {  	[sflag:s8] =	ssyncset.s32 @!p0 $0xFFFFF086;
	s6 =	sadd.s32 @!p0 s3, s7;
	s7 =	simm.s32 @!p0 $0x108  }
0x21: {  	s3 =	sadd.s32 s3, s9;
	s6 =	sadd.s32 @!p0 $0x88, s6;
	s7 =	simm.s32 @p2 $0x1082  }
0x22: {  	[simem:s7], [sflag:s8] =	dma.local @!p0 [hbm:s6], $0xF7A  }
0x23: {  	s9 =	sor.u32 $0xD0000000, s2;
	s6 =	simm.s32 $0x108;
	_ =	swait.ge @!p0 [sflag:s8], $0x0  }
0x24: {  	s3 =	sadd.s32 $0x88, s3;
	s6 =	simm.s32 @!p1 $0x1082;
	[sflag:s4] =	ssyncset.s32 $0xFFFFF086  }
0x25: {  	[simem:s6], [sflag:s4] =	dma.local [hbm:s3], $0xF7A  }
0x26: {  	[smem:$0x3F9E] =	sst s1;
	(tag) =	ssettag s2;
	_ =	strace s9  }
0x27: {  	s1 =	sld [smem:$0x3FAE]  }
0x28: {  	s2 =	sld [smem:$0x3FAF]  }
0x29: {  	s4 =	sld [smem:$0x3FB1]  }
0x2a: {  	p0 =	seq.s32 s5, $0x0;
	s5 =	sld [smem:$0x3FB2]  }
0x2b: {  	s6 =	sld [smem:$0x3FB3]  }
0x2c: {  	s7 =	sld [smem:$0x3FB4]  }
0x2d: {  	s3 =	simm.s32 $0x108;
	s8 =	sld [smem:$0x3FB5]  }
0x2e: {  	s3 =	simm.s32 @!p0 $0x1082;
	s9 =	sld [smem:$0x3FB6]  }
0x2f: {  	lr =	sadd.s32 s0, s3;
	s0 =	sld [smem:$0x3FAD]  }
0x30: {  	s3 =	sld [smem:$0x3FB0]  }
0x31: {  	[smem:$0x3FB9] =	sst s10  }
0x32: {  	s10 =	sld [smem:$0x3FB7];
	_ =	sdelay $0x3  }
0x33: {  	p0 =	seq.s32 s10, $0x1;
	s10 =	sld [smem:$0x3FB9];
	_ =	sdelay $0x3  }
0x34: {  	[smem:$0x3FB9] =	sst s10  }
0x35: {  	s10 =	sld [smem:$0x3FB8];
	_ =	sdelay $0x3  }
0x36: {  	p1 =	seq.s32 s10, $0x1;
	s10 =	sld [smem:$0x3FB9];
	_ =	sdelay $0x3  }
0x37: {  	[smem:$0x3FB9] =	sst s10  }
0x38: {  	s10 =	sld [smem:$0x3FBA]  }
0x39: {  	_ = 	snop;
	(pc) =	sbr.ind lr, $3  }
0x3a: {  	_ = 	snop  }
0x3b: {  	_ = 	snop  }
0x3c: {  	p2 =	seq.s32 s10, $0x1;
	s10 =	sld [smem:$0x3FB9]  }
0x3d: {  	_ =	shalt  }
0x3e: {  	_ =	shalt  }
0x3f: {  	_ =	shalt  }
0x40: {  	_ =	shalt  }
0x41: {  	_ =	shalt  }
0x42: {  	_ =	shalt  }
0x43: {  	_ =	shalt  }
0x44: {  	_ =	shalt  }
0x45: {  	_ =	shalt  }
0x46: {  	_ =	shalt  }
0x47: {  	_ =	shalt  }
0x48: {  	_ =	shalt  }
0x49: {  	_ =	shalt  }
0x4a: {  	_ =	shalt  }
0x4b: {  	_ =	shalt  }
0x4c: {  	_ =	shalt  }
0x4d: {  	_ =	shalt  }
0x4e: {  	_ =	shalt  }
0x4f: {  	_ =	shalt  }
0x50: {  	_ =	shalt  }
0x51: {  	_ =	shalt  }
0x52: {  	_ =	shalt  }
0x53: {  	_ =	shalt  }
0x54: {  	_ =	shalt  }
0x55: {  	_ =	shalt  }
0x56: {  	_ =	shalt  }
0x57: {  	_ =	shalt  }
0x58: {  	_ =	shalt  }
0x59: {  	_ =	shalt  }
0x5a: {  	_ =	shalt  }
0x5b: {  	_ =	shalt  }
0x5c: {  	_ =	shalt  }
0x5d: {  	_ =	shalt  }
0x5e: {  	_ =	shalt  }
0x5f: {  	_ =	shalt  }
0x60: {  	_ =	shalt  }
0x61: {  	_ =	shalt  }
0x62: {  	_ =	shalt  }
0x63: {  	_ =	shalt  }
0x64: {  	_ =	shalt  }
0x65: {  	_ =	shalt  }
0x66: {  	_ =	shalt  }
0x67: {  	_ =	shalt  }
0x68: {  	_ =	shalt  }
0x69: {  	_ =	shalt  }
0x6a: {  	_ =	shalt  }
0x6b: {  	_ =	shalt  }
0x6c: {  	_ =	shalt  }
0x6d: {  	_ =	shalt  }
0x6e: {  	_ =	shalt  }
0x6f: {  	_ =	shalt  }
0x70: {  	_ =	shalt  }
0x71: {  	_ =	shalt  }
0x72: {  	_ =	shalt  }
0x73: {  	_ =	shalt  }
0x74: {  	_ =	shalt  }
0x75: {  	_ =	shalt  }
0x76: {  	_ =	shalt  }
0x77: {  	_ =	shalt  }
0x78: {  	_ =	shalt  }
0x79: {  	_ =	shalt  }
0x7a: {  	_ =	shalt  }
0x7b: {  	_ =	shalt  }
0x7c: {  	_ =	shalt  }
0x7d: {  	_ =	shalt  }
0x7e: {  	_ =	shalt  }
0x7f: {  	_ =	shalt  }
0x80: {  	_ =	shalt  }
0x81: {  	_ =	shalt  }
0x82: {  	_ =	shalt  }
0x83: {  	_ =	shalt  }
0x84: {  	_ =	shalt  }
0x85: {  	_ =	shalt  }
0x86: {  	_ =	shalt  }
0x87: {  	_ =	shalt  }
.Lfunc_end0:
.L_simem_size_0:
called_computation_lowered:
.L_overlay_start_0:
0x88: {  	s0 =	sld [smem:$0x3FD9]  }
0x89: {  	s1 =	sld [smem:$0x3FFE];
	_ =	sdelay $0x3  }
0x8a: {  	s0 =	sadd.s32 s1, s0  }
0x8b: {  	[smem:$0x3FC5] =	sst s0  }
0x8c: {  	_ = 	snop  }
0x8d: {  	s0 =	sld [smem:$0x3FC9]  }
0x8e: {  	s17 =	sld [smem:$0x3FC8]  }
0x8f: {  	s2 =	sld [smem:$0x3FC7]  }
0x90: {  	s3 =	sld [smem:$0x3FD0];
	(tm) =	ssettm $0x1  }
0x91: {  	s4 =	sld [smem:$0x3FFB];
	_ =	sdelay $0x3  }
0x92: {  	_ =	strace s4  }
0x93: {  	s4 =	sld [smem:$0x3FFC];
	_ =	sdelay $0x3  }
0x94: {  	_ =	strace s4  }
0x95: {  	s4 =	sld [smem:$0x3FFD];
	_ =	sdelay $0x3  }
0x96: {  	_ =	strace s4  }
0x97: {  	_ =	strace $0x8FFFFFFF  }
0x98: {  	s18 =	sld [smem:$0x3FDB];
	_ =	sdelay $0x1  }
0x99: {  	s5 =	simm.s32 $_scs_section_size  }
0x9a: {  	s6 =	simm.s32 $_size__tile_overlayer_lowered;
	s7 =	simm.s32 $_tile_overlayer_lowered  }
0x9b: {  	s21 =	simm.s32 $0x1BFF;
	s20 =	sshll.u32 s7, $0x1;
	s4 =	sadd.s32 s5, s18  }
0x9c: {  	s8 =	simm.s32 $0x0;
	s19 =	sshll.u32 s6, $0x1;
	s6 =	sadd.s32 s20, s4  }
0x9d: {  	[timem:s8], [sflag:s21] =	dma.local [hbm:s6], s19  }
0x9e: {  	_ =	swait.ge [sflag:s21], s19  }
0x9f: {  	s5 =	ssub.s32 $0x0, s19;
	[sflag:s21] =	ssyncset.done $0x0  }
0xa0: {  	[sflag:s21] =	ssyncadd.s32 s5;
	_ =	sdelay $0x1  }
0xa1: {  	s22 =	simm.s32 $0x1B8B  }
0xa2: {  	_ =	swait.ge [sflag:s22], $0x1  }
0xa3: {  	[sflag:s22] =	ssyncset.done $0x0  }
0xa4: {  	s23 =	simm.s32 $0x1B8E;
	[sflag:s22] =	ssyncadd.s32 $0xFFFFFFFF  }
0xa5: {  	s24 =	simm.s32 $execute0_lowered;
	[smem:$0x3FD2] =	sst s23  }
0xa6: {  	s5 =	sshll.u32 s24, $0x1;
	_ =	strace $0x80000046;
	[dreg:$0x1] =	wrdreg $0xFFFFFFFF  }
0xa7: {  	s25 =	simm.s32 $_size_execute0_lowered;
	s4 =	sadd.s32 s4, s5;
	[dreg:$0x0] =	wrdreg $0x0  }
0xa8: {  	s5 =	sshll.u32 s25, $0x1;
	[dreg:$0x2] =	wrdreg s4  }
0xa9: {  	[dreg:$0x3] =	wrdreg s5  }
0xaa: {  	[dreg:$0x4] =	wrdreg $0xC0  }
0xab: {  	_ =	task [dreg:s8], $0x5FFFF  }
0xac: {  	[dreg:$0x1] =	wrdreg $0xFFFFFFFF  }
0xad: {  	[dreg:$0x0] =	wrdreg $0x60  }
0xae: {  	[dreg:$0x2] =	wrdreg s0  }
0xaf: {  	[dreg:$0x3] =	wrdreg s17  }
0xb0: {  	[dreg:$0x4] =	wrdreg s2  }
0xb1: {  	[dreg:$0x5] =	wrdreg s3  }
0xb2: {  	[dreg:$0x6] =	wrdreg $0x9  }
0xb3: {  	_ =	task.clear_ibuf [dreg:s8], $0x7FFFF;
	_ =	strace $0x90000046  }
0xb4: {  	s26 =	simm.s32 $0x9;
	_ =	strace $0x80000048  }
0xb5: {  	_ =	swait.ge [sflag:s26], $0x1  }
0xb6: {  	[sflag:s26] =	ssyncadd.s32 $0xFFFFFFFF  }
0xb7: {  	_ =	strace $0x90000048  }
0xb8: {  	_ =	sfence  }
0xb9: {  	s28 =	sld [smem:$0x0];
	_ =	sdelay $0x1  }
0xba: {  	s29 =	srdreg.scid  }
0xbb: {  	s30 =	sshll.u32 s29, $0xD;
	s31 =	sshrl.u32 s29, $0x2  }
0xbc: {  	s1 =	sand.u32 $0x1, s29;
	s2 =	sand.u32 $0x4000, s30;
	s0 =	sadd.s32 s31, s28  }
0xbd: {  	s1 =	sor.u32 s2, s1;
	s0 =	sshll.u32 s0, $0x11  }
0xbe: {  	s0 =	sor.u32 s0, s1  }
0xbf: {  	s0 =	sadd.s32 $0x8F2B, s0  }
0xc0: {  	[sflag:s0] =	ssyncadd.remote.s32 $0x1  }
0xc1: {  	_ =	sfence.sel $0xFFFF  }
0xc2: {  	[dreg:$0x0] =	wrdreg $0xFFFFFFFF;
	(pc) =	sbr.abs _section_cstart, $3  }
0xc3: {  	[dreg:$0x1] =	wrdreg $0xFFFFFFFF  }
0xc4: {  	_ =	task.clear_ibuf [dreg:s8], $0x2FFFF;
	_ =	strace $0x9FFFFFFF  }
0xc5: {  	(tm) =	ssettm $0x7FFFFFFF  }
tec
execute0_lowered:
.L_overlay_start_1:
0x0: {  	(tag) =	ssettag $0x1  }
0x1: {  	s8 =	rddreg [dreg:$0x0]  }
0x2: {  	s3 =	rddreg [dreg:$0x1]  }
0x3: {  	s9 =	rddreg [dreg:$0x2];
	s1 =	stileid.u32  }
0x4: {  	s2 =	rddreg [dreg:$0x3];
	s6 =	simm.s32 $0x0;
	s4 =	smul.u32 $0x3200, s1  }
0x5: {  	[smem:$0x7FF] =	sst s6  }
0x6: {  	s0 =	rddreg [dreg:$0x4];
	_ =	strace $0x80000047;
	s7 =	sshrl.u32 s4, $0x3  }
0x7: {  	[tilespmem:s6], [sflag:$0x9] =	stream.linear.gather [hbm4b:s3+s6], $0x80, $0x38;
	[tilespmem:$0x6480] =	vst v63  }
0x8: {  	s17 =	simm.s32 $0x80;
	s16 =	sadd.s32 s9, s7;
	s5 =	sadd.s32 $0x190, s7  }
0x9: {  	[tilespmem:s17], [sflag:$0x1] =	stream.linear.gather [hbm4b:s16+s6], $0xC80, $0x38;
	[tilespmem:$0x6480] =	vst v63  }
0xa: {  	s10 =	simm.s32 $0xD00;
	s4 =	sadd.s32 $0x320, s7;
	s18 =	sadd.s32 s9, s5  }
0xb: {  	[tilespmem:s10], [sflag:$0x2] =	stream.linear.gather [hbm4b:s18+s6], $0xC80, $0x38;
	[tilespmem:$0x6480] =	vst v63  }
0xc: {  	s11 =	simm.s32 $0x1980;
	s3 =	sadd.s32 $0x4B0, s7;
	s19 =	sadd.s32 s9, s4  }
0xd: {  	[tilespmem:s11], [sflag:$0x3] =	stream.linear.gather [hbm4b:s19+s6], $0xC80, $0x38;
	[tilespmem:$0x6480] =	vst v63  }
0xe: {  	s20 =	simm.s32 $0x2600;
	s9 =	sadd.s32 s9, s3  }
0xf: {  	[tilespmem:s20], [sflag:$0x4] =	stream.linear.gather [hbm4b:s9+s6], $0xC80, $0x38;
	[tilespmem:$0x6480] =	vst v63  }
0x10: {  	s22 =	simm.s32 $0x3280;
	s21 =	sadd.s32 s8, s7  }
0x11: {  	[tilespmem:s22], [sflag:$0x5] =	stream.linear.gather [hbm4b:s21+s6], $0xC80, $0x38;
	[tilespmem:$0x6480] =	vst v63  }
0x12: {  	s24 =	simm.s32 $0x3F00;
	s23 =	sadd.s32 s8, s5  }
0x13: {  	[tilespmem:s24], [sflag:$0x6] =	stream.linear.gather [hbm4b:s23+s6], $0xC80, $0x38;
	[tilespmem:$0x6480] =	vst v63  }
0x14: {  	s26 =	simm.s32 $0x4B80;
	s25 =	sadd.s32 s8, s4  }
0x15: {  	[tilespmem:s26], [sflag:$0x7] =	stream.linear.gather [hbm4b:s25+s6], $0xC80, $0x38;
	[tilespmem:$0x6480] =	vst v63  }
0x16: {  	s28 =	simm.s32 $0x5800;
	s29 =	simm.s32 $0x9;
	s8 =	sadd.s32 s8, s3  }
0x17: {  	[tilespmem:s28], [sflag:$0x8] =	stream.linear.gather [hbm4b:s8+s6], $0xC80, $0x38;
	[tilespmem:$0x6480] =	vst v63  }
0x18: {  	_ =	swait.ge [sflag:s29], $0x80  }
0x19: {  	[sflag:s29] =	ssyncset.done $0x0  }
0x1a: {  	s30 =	simm.s32 $0x1;
	[sflag:s29] =	ssyncadd.s32 $0xFFFFFF80  }
0x1b: {  	_ =	swait.ge [sflag:s30], $0xC80  }
0x1c: {  	[sflag:s30] =	ssyncset.done $0x0  }
0x1d: {  	s31 =	simm.s32 $0x5;
	[sflag:s30] =	ssyncadd.s32 $0xFFFFF380  }
0x1e: {  	_ =	swait.ge [sflag:s31], $0xC80  }
0x1f: {  	[sflag:s31] =	ssyncset.done $0x0  }
0x20: {  	s8 =	simm.s32 $0x0;
	[sflag:s31] =	ssyncadd.s32 $0xFFFFF380  }
0x21: {  	v0 =	vld [tilespmem:s8+$0xF0]  }
0x22: {  	v1 =	vld [tilespmem:s8+$0x80]  }
0x23: {  	v2 =	vld [tilespmem:s8+$0x90]  }
0x24: {  	v3 =	vld [tilespmem:s8+$0xA0]  }
0x25: {  	v4 =	vld [tilespmem:s8+$0xB0]  }
0x26: {  	v5 =	vld [tilespmem:s8+$0xC0]  }
0x27: {  	v6 =	vld [tilespmem:s8+$0xD0]  }
0x28: {  	v7 =	vld [tilespmem:s8+$0xE0]  }
0x29: {  	v0 =	vld.idx.msk [tilespmem:v0+s6+$0x0], $0xffff  }
0x2a: {  	v1 =	vld.idx.msk [tilespmem:v1+s6+$0x0], $0xffff  }
0x2b: {  	v2 =	vld.idx.msk [tilespmem:v2+s6+$0x0], $0xffff  }
0x2c: {  	v3 =	vld.idx.msk [tilespmem:v3+s6+$0x0], $0xffff  }
0x2d: {  	v4 =	vld.idx.msk [tilespmem:v4+s6+$0x0], $0xffff  }
0x2e: {  	v5 =	vld.idx.msk [tilespmem:v5+s6+$0x0], $0xffff  }
0x2f: {  	v6 =	vld.idx.msk [tilespmem:v6+s6+$0x0], $0xffff  }
0x30: {  	[tilespmem:s8+$0x32F0] =	vst.add.f32.msk $0xffff, v0  }
0x31: {  	v0 =	vld.idx.msk [tilespmem:v7+s6+$0x0], $0xffff  }
0x32: {  	[tilespmem:s8+$0x3280] =	vst.add.f32.msk $0xffff, v1  }
0x33: {  	[tilespmem:s8+$0x3290] =	vst.add.f32.msk $0xffff, v2  }
0x34: {  	[tilespmem:s8+$0x32A0] =	vst.add.f32.msk $0xffff, v3  }
0x35: {  	[tilespmem:s8+$0x32B0] =	vst.add.f32.msk $0xffff, v4  }
0x36: {  	[tilespmem:s8+$0x32C0] =	vst.add.f32.msk $0xffff, v5  }
0x37: {  	s10 =	simm.s32 $0x200;
	s9 =	simm.s32 $0x0;
	[tilespmem:s8+$0x32D0] =	vst.add.f32.msk $0xffff, v6  }
.LBB2_1:
0x38: {  	s9 =	sadd.s32 $0x80, s9;
	[tilespmem:s8+$0x32E0] =	vst.add.f32.msk $0xffff, v0;
	s8 =	sshra.s32 s10, $0x2  }
0x39: {  	v0 =	vld [tilespmem:s8+$0xF0];
	p0 =	slt.u32 s9, $0xC00  }
0x3a: {  	v1 =	vld [tilespmem:s8+$0x80]  }
0x3b: {  	v2 =	vld [tilespmem:s8+$0x90]  }
0x3c: {  	v3 =	vld [tilespmem:s8+$0xA0]  }
0x3d: {  	v4 =	vld [tilespmem:s8+$0xB0]  }
0x3e: {  	v5 =	vld [tilespmem:s8+$0xC0]  }
0x3f: {  	v6 =	vld [tilespmem:s8+$0xD0]  }
0x40: {  	v7 =	vld [tilespmem:s8+$0xE0]  }
0x41: {  	v0 =	vld.idx.msk [tilespmem:v0+s6+$0x0], $0xffff  }
0x42: {  	v1 =	vld.idx.msk [tilespmem:v1+s6+$0x0], $0xffff  }
0x43: {  	v2 =	vld.idx.msk [tilespmem:v2+s6+$0x0], $0xffff  }
0x44: {  	v3 =	vld.idx.msk [tilespmem:v3+s6+$0x0], $0xffff  }
0x45: {  	v4 =	vld.idx.msk [tilespmem:v4+s6+$0x0], $0xffff  }
0x46: {  	v5 =	vld.idx.msk [tilespmem:v5+s6+$0x0], $0xffff  }
0x47: {  	[tilespmem:s8+$0x32F0] =	vst.add.f32.msk $0xffff, v0  }
0x48: {  	v6 =	vld.idx.msk [tilespmem:v6+s6+$0x0], $0xffff  }
0x49: {  	v0 =	vld.idx.msk [tilespmem:v7+s6+$0x0], $0xffff  }
0x4a: {  	[tilespmem:s8+$0x3280] =	vst.add.f32.msk $0xffff, v1  }
.Ltmp0:
0x4b: {  	[tilespmem:s8+$0x3290] =	vst.add.f32.msk $0xffff, v2;
	(pc) =	sbr.rel @p0 .LBB2_1-.Ltmp0, $4  }
0x4c: {  	[tilespmem:s8+$0x32A0] =	vst.add.f32.msk $0xffff, v3  }
0x4d: {  	[tilespmem:s8+$0x32B0] =	vst.add.f32.msk $0xffff, v4  }
0x4e: {  	[tilespmem:s8+$0x32C0] =	vst.add.f32.msk $0xffff, v5  }
0x4f: {  	s10 =	sadd.s32 $0x200, s10;
	[tilespmem:s8+$0x32D0] =	vst.add.f32.msk $0xffff, v6  }
0x50: {  	s7 =	sadd.s32 s2, s7  }
0x51: {  	[tilespmem:s8+$0x32E0] =	vst.add.f32.msk $0xffff, v0;
	s6 =	simm.s32 $0x0;
	s29 =	simm.s32 $0x3280;
	s30 =	simm.s32 $0x2  }
0x52: {  	[hbm4b:s7+s6] =	stream.linear.scatter [tilespmem:s29], [sflag:$0x1], $0xC80, $0x38;
	[tilespmem:$0x6480] =	vst v63  }
0x53: {  	_ =	swait.ge [sflag:s30], $0xC80  }
0x54: {  	[sflag:s30] =	ssyncset.done $0x0  }
0x55: {  	s31 =	simm.s32 $0x6;
	[sflag:s30] =	ssyncadd.s32 $0xFFFFF380  }
0x56: {  	_ =	swait.ge [sflag:s31], $0xC80  }
0x57: {  	[sflag:s31] =	ssyncset.done $0x0  }
0x58: {  	s7 =	simm.s32 $0x0;
	[sflag:s31] =	ssyncadd.s32 $0xFFFFF380  }
0x59: {  	v0 =	vld [tilespmem:s7+$0xD70]  }
0x5a: {  	v1 =	vld [tilespmem:s7+$0xD00]  }
0x5b: {  	v2 =	vld [tilespmem:s7+$0xD10]  }
0x5c: {  	v3 =	vld [tilespmem:s7+$0xD20]  }
0x5d: {  	v4 =	vld [tilespmem:s7+$0xD30]  }
0x5e: {  	v5 =	vld [tilespmem:s7+$0xD40]  }
0x5f: {  	v6 =	vld [tilespmem:s7+$0xD50]  }
0x60: {  	v7 =	vld [tilespmem:s7+$0xD60]  }
0x61: {  	v0 =	vld.idx.msk [tilespmem:v0+s6+$0x0], $0xffff  }
0x62: {  	v1 =	vld.idx.msk [tilespmem:v1+s6+$0x0], $0xffff  }
0x63: {  	v2 =	vld.idx.msk [tilespmem:v2+s6+$0x0], $0xffff  }
0x64: {  	v3 =	vld.idx.msk [tilespmem:v3+s6+$0x0], $0xffff  }
0x65: {  	v4 =	vld.idx.msk [tilespmem:v4+s6+$0x0], $0xffff  }
0x66: {  	v5 =	vld.idx.msk [tilespmem:v5+s6+$0x0], $0xffff  }
0x67: {  	v6 =	vld.idx.msk [tilespmem:v6+s6+$0x0], $0xffff  }
0x68: {  	[tilespmem:s7+$0x3F70] =	vst.add.f32.msk $0xffff, v0  }
0x69: {  	v0 =	vld.idx.msk [tilespmem:v7+s6+$0x0], $0xffff  }
0x6a: {  	[tilespmem:s7+$0x3F00] =	vst.add.f32.msk $0xffff, v1  }
0x6b: {  	[tilespmem:s7+$0x3F10] =	vst.add.f32.msk $0xffff, v2  }
0x6c: {  	[tilespmem:s7+$0x3F20] =	vst.add.f32.msk $0xffff, v3  }
0x6d: {  	[tilespmem:s7+$0x3F30] =	vst.add.f32.msk $0xffff, v4  }
0x6e: {  	[tilespmem:s7+$0x3F40] =	vst.add.f32.msk $0xffff, v5  }
0x6f: {  	s8 =	simm.s32 $0xC80;
	s9 =	simm.s32 $0x200;
	[tilespmem:s7+$0x3F50] =	vst.add.f32.msk $0xffff, v6  }
.LBB2_3:
0x70: {  	s8 =	sadd.s32 $0x80, s8;
	[tilespmem:s7+$0x3F60] =	vst.add.f32.msk $0xffff, v0;
	s7 =	sshra.s32 s9, $0x2  }
0x71: {  	v0 =	vld [tilespmem:s7+$0xD70];
	p0 =	slt.u32 s8, $0x1880  }
0x72: {  	v1 =	vld [tilespmem:s7+$0xD00]  }
0x73: {  	v2 =	vld [tilespmem:s7+$0xD10]  }
0x74: {  	v3 =	vld [tilespmem:s7+$0xD20]  }
0x75: {  	v4 =	vld [tilespmem:s7+$0xD30]  }
0x76: {  	v5 =	vld [tilespmem:s7+$0xD40]  }
0x77: {  	v6 =	vld [tilespmem:s7+$0xD50]  }
0x78: {  	v7 =	vld [tilespmem:s7+$0xD60]  }
0x79: {  	v0 =	vld.idx.msk [tilespmem:v0+s6+$0x0], $0xffff  }
0x7a: {  	v1 =	vld.idx.msk [tilespmem:v1+s6+$0x0], $0xffff  }
0x7b: {  	v2 =	vld.idx.msk [tilespmem:v2+s6+$0x0], $0xffff  }
0x7c: {  	v3 =	vld.idx.msk [tilespmem:v3+s6+$0x0], $0xffff  }
0x7d: {  	v4 =	vld.idx.msk [tilespmem:v4+s6+$0x0], $0xffff  }
0x7e: {  	v5 =	vld.idx.msk [tilespmem:v5+s6+$0x0], $0xffff  }
0x7f: {  	[tilespmem:s7+$0x3F70] =	vst.add.f32.msk $0xffff, v0  }
0x80: {  	v6 =	vld.idx.msk [tilespmem:v6+s6+$0x0], $0xffff  }
0x81: {  	v0 =	vld.idx.msk [tilespmem:v7+s6+$0x0], $0xffff  }
0x82: {  	[tilespmem:s7+$0x3F00] =	vst.add.f32.msk $0xffff, v1  }
.Ltmp1:
0x83: {  	[tilespmem:s7+$0x3F10] =	vst.add.f32.msk $0xffff, v2;
	(pc) =	sbr.rel @p0 .LBB2_3-.Ltmp1, $4  }
0x84: {  	[tilespmem:s7+$0x3F20] =	vst.add.f32.msk $0xffff, v3  }
0x85: {  	[tilespmem:s7+$0x3F30] =	vst.add.f32.msk $0xffff, v4  }
0x86: {  	[tilespmem:s7+$0x3F40] =	vst.add.f32.msk $0xffff, v5  }
0x87: {  	s9 =	sadd.s32 $0x200, s9;
	[tilespmem:s7+$0x3F50] =	vst.add.f32.msk $0xffff, v6  }
0x88: {  	s6 =	sadd.s32 s2, s5  }
0x89: {  	[tilespmem:s7+$0x3F60] =	vst.add.f32.msk $0xffff, v0;
	s5 =	simm.s32 $0x0;
	s29 =	simm.s32 $0x3F00;
	s30 =	simm.s32 $0x3  }
0x8a: {  	[hbm4b:s6+s5] =	stream.linear.scatter [tilespmem:s29], [sflag:$0x2], $0xC80, $0x38;
	[tilespmem:$0x6480] =	vst v63  }
0x8b: {  	_ =	swait.ge [sflag:s30], $0xC80  }
0x8c: {  	[sflag:s30] =	ssyncset.done $0x0  }
0x8d: {  	s31 =	simm.s32 $0x7;
	[sflag:s30] =	ssyncadd.s32 $0xFFFFF380  }
0x8e: {  	_ =	swait.ge [sflag:s31], $0xC80  }
0x8f: {  	[sflag:s31] =	ssyncset.done $0x0  }
0x90: {  	s6 =	simm.s32 $0x0;
	[sflag:s31] =	ssyncadd.s32 $0xFFFFF380  }
0x91: {  	v0 =	vld [tilespmem:s6+$0x19F0]  }
0x92: {  	v1 =	vld [tilespmem:s6+$0x1980]  }
0x93: {  	v2 =	vld [tilespmem:s6+$0x1990]  }
0x94: {  	v3 =	vld [tilespmem:s6+$0x19A0]  }
0x95: {  	v4 =	vld [tilespmem:s6+$0x19B0]  }
0x96: {  	v5 =	vld [tilespmem:s6+$0x19C0]  }
0x97: {  	v6 =	vld [tilespmem:s6+$0x19D0]  }
0x98: {  	v7 =	vld [tilespmem:s6+$0x19E0]  }
0x99: {  	v0 =	vld.idx.msk [tilespmem:v0+s5+$0x0], $0xffff  }
0x9a: {  	v1 =	vld.idx.msk [tilespmem:v1+s5+$0x0], $0xffff  }
0x9b: {  	v2 =	vld.idx.msk [tilespmem:v2+s5+$0x0], $0xffff  }
0x9c: {  	v3 =	vld.idx.msk [tilespmem:v3+s5+$0x0], $0xffff  }
0x9d: {  	v4 =	vld.idx.msk [tilespmem:v4+s5+$0x0], $0xffff  }
0x9e: {  	v5 =	vld.idx.msk [tilespmem:v5+s5+$0x0], $0xffff  }
0x9f: {  	v6 =	vld.idx.msk [tilespmem:v6+s5+$0x0], $0xffff  }
0xa0: {  	[tilespmem:s6+$0x4BF0] =	vst.add.f32.msk $0xffff, v0  }
0xa1: {  	v0 =	vld.idx.msk [tilespmem:v7+s5+$0x0], $0xffff  }
0xa2: {  	[tilespmem:s6+$0x4B80] =	vst.add.f32.msk $0xffff, v1  }
0xa3: {  	[tilespmem:s6+$0x4B90] =	vst.add.f32.msk $0xffff, v2  }
0xa4: {  	[tilespmem:s6+$0x4BA0] =	vst.add.f32.msk $0xffff, v3  }
0xa5: {  	[tilespmem:s6+$0x4BB0] =	vst.add.f32.msk $0xffff, v4  }
0xa6: {  	[tilespmem:s6+$0x4BC0] =	vst.add.f32.msk $0xffff, v5  }
0xa7: {  	s7 =	simm.s32 $0x1900;
	s8 =	simm.s32 $0x200;
	[tilespmem:s6+$0x4BD0] =	vst.add.f32.msk $0xffff, v6  }
.LBB2_5:
0xa8: {  	s7 =	sadd.s32 $0x80, s7;
	[tilespmem:s6+$0x4BE0] =	vst.add.f32.msk $0xffff, v0;
	s6 =	sshra.s32 s8, $0x2  }
0xa9: {  	v0 =	vld [tilespmem:s6+$0x19F0];
	p0 =	slt.u32 s7, $0x2500  }
0xaa: {  	v1 =	vld [tilespmem:s6+$0x1980]  }
0xab: {  	v2 =	vld [tilespmem:s6+$0x1990]  }
0xac: {  	v3 =	vld [tilespmem:s6+$0x19A0]  }
0xad: {  	v4 =	vld [tilespmem:s6+$0x19B0]  }
0xae: {  	v5 =	vld [tilespmem:s6+$0x19C0]  }
0xaf: {  	v6 =	vld [tilespmem:s6+$0x19D0]  }
0xb0: {  	v7 =	vld [tilespmem:s6+$0x19E0]  }
0xb1: {  	v0 =	vld.idx.msk [tilespmem:v0+s5+$0x0], $0xffff  }
0xb2: {  	v1 =	vld.idx.msk [tilespmem:v1+s5+$0x0], $0xffff  }
0xb3: {  	v2 =	vld.idx.msk [tilespmem:v2+s5+$0x0], $0xffff  }
0xb4: {  	v3 =	vld.idx.msk [tilespmem:v3+s5+$0x0], $0xffff  }
0xb5: {  	v4 =	vld.idx.msk [tilespmem:v4+s5+$0x0], $0xffff  }
0xb6: {  	v5 =	vld.idx.msk [tilespmem:v5+s5+$0x0], $0xffff  }
0xb7: {  	[tilespmem:s6+$0x4BF0] =	vst.add.f32.msk $0xffff, v0  }
0xb8: {  	v6 =	vld.idx.msk [tilespmem:v6+s5+$0x0], $0xffff  }
0xb9: {  	v0 =	vld.idx.msk [tilespmem:v7+s5+$0x0], $0xffff  }
0xba: {  	[tilespmem:s6+$0x4B80] =	vst.add.f32.msk $0xffff, v1  }
.Ltmp2:
0xbb: {  	[tilespmem:s6+$0x4B90] =	vst.add.f32.msk $0xffff, v2;
	(pc) =	sbr.rel @p0 .LBB2_5-.Ltmp2, $4  }
0xbc: {  	[tilespmem:s6+$0x4BA0] =	vst.add.f32.msk $0xffff, v3  }
0xbd: {  	[tilespmem:s6+$0x4BB0] =	vst.add.f32.msk $0xffff, v4  }
0xbe: {  	[tilespmem:s6+$0x4BC0] =	vst.add.f32.msk $0xffff, v5  }
0xbf: {  	s8 =	sadd.s32 $0x200, s8;
	[tilespmem:s6+$0x4BD0] =	vst.add.f32.msk $0xffff, v6  }
0xc0: {  	s5 =	sadd.s32 s2, s4  }
0xc1: {  	[tilespmem:s6+$0x4BE0] =	vst.add.f32.msk $0xffff, v0;
	s4 =	simm.s32 $0x0;
	s29 =	simm.s32 $0x4B80;
	s30 =	simm.s32 $0x4  }
0xc2: {  	[hbm4b:s5+s4] =	stream.linear.scatter [tilespmem:s29], [sflag:$0x3], $0xC80, $0x38;
	[tilespmem:$0x6480] =	vst v63  }
0xc3: {  	_ =	swait.ge [sflag:s30], $0xC80  }
0xc4: {  	[sflag:s30] =	ssyncset.done $0x0  }
0xc5: {  	s31 =	simm.s32 $0x8;
	[sflag:s30] =	ssyncadd.s32 $0xFFFFF380  }
0xc6: {  	_ =	swait.ge [sflag:s31], $0xC80  }
0xc7: {  	[sflag:s31] =	ssyncset.done $0x0  }
0xc8: {  	s5 =	simm.s32 $0x0;
	[sflag:s31] =	ssyncadd.s32 $0xFFFFF380  }
0xc9: {  	v0 =	vld [tilespmem:s5+$0x2670]  }
0xca: {  	v1 =	vld [tilespmem:s5+$0x2600]  }
0xcb: {  	v2 =	vld [tilespmem:s5+$0x2610]  }
0xcc: {  	v3 =	vld [tilespmem:s5+$0x2620]  }
0xcd: {  	v4 =	vld [tilespmem:s5+$0x2630]  }
0xce: {  	v5 =	vld [tilespmem:s5+$0x2640]  }
0xcf: {  	v6 =	vld [tilespmem:s5+$0x2650]  }
0xd0: {  	v7 =	vld [tilespmem:s5+$0x2660]  }
0xd1: {  	v0 =	vld.idx.msk [tilespmem:v0+s4+$0x0], $0xffff  }
0xd2: {  	v1 =	vld.idx.msk [tilespmem:v1+s4+$0x0], $0xffff  }
0xd3: {  	v2 =	vld.idx.msk [tilespmem:v2+s4+$0x0], $0xffff  }
0xd4: {  	v3 =	vld.idx.msk [tilespmem:v3+s4+$0x0], $0xffff  }
0xd5: {  	v4 =	vld.idx.msk [tilespmem:v4+s4+$0x0], $0xffff  }
0xd6: {  	v5 =	vld.idx.msk [tilespmem:v5+s4+$0x0], $0xffff  }
0xd7: {  	v6 =	vld.idx.msk [tilespmem:v6+s4+$0x0], $0xffff  }
0xd8: {  	[tilespmem:s5+$0x5870] =	vst.add.f32.msk $0xffff, v0  }
0xd9: {  	v0 =	vld.idx.msk [tilespmem:v7+s4+$0x0], $0xffff  }
0xda: {  	[tilespmem:s5+$0x5800] =	vst.add.f32.msk $0xffff, v1  }
0xdb: {  	[tilespmem:s5+$0x5810] =	vst.add.f32.msk $0xffff, v2  }
0xdc: {  	[tilespmem:s5+$0x5820] =	vst.add.f32.msk $0xffff, v3  }
0xdd: {  	[tilespmem:s5+$0x5830] =	vst.add.f32.msk $0xffff, v4  }
0xde: {  	[tilespmem:s5+$0x5840] =	vst.add.f32.msk $0xffff, v5  }
0xdf: {  	s6 =	simm.s32 $0x2580;
	s7 =	simm.s32 $0x200;
	[tilespmem:s5+$0x5850] =	vst.add.f32.msk $0xffff, v6  }
.LBB2_7:
0xe0: {  	s6 =	sadd.s32 $0x80, s6;
	[tilespmem:s5+$0x5860] =	vst.add.f32.msk $0xffff, v0;
	s5 =	sshra.s32 s7, $0x2  }
0xe1: {  	v0 =	vld [tilespmem:s5+$0x2670];
	p0 =	slt.u32 s6, $0x3180  }
0xe2: {  	v1 =	vld [tilespmem:s5+$0x2600]  }
0xe3: {  	v2 =	vld [tilespmem:s5+$0x2610]  }
0xe4: {  	v3 =	vld [tilespmem:s5+$0x2620]  }
0xe5: {  	v4 =	vld [tilespmem:s5+$0x2630]  }
0xe6: {  	v5 =	vld [tilespmem:s5+$0x2640]  }
0xe7: {  	v6 =	vld [tilespmem:s5+$0x2650]  }
0xe8: {  	v7 =	vld [tilespmem:s5+$0x2660]  }
0xe9: {  	v0 =	vld.idx.msk [tilespmem:v0+s4+$0x0], $0xffff  }
0xea: {  	v1 =	vld.idx.msk [tilespmem:v1+s4+$0x0], $0xffff  }
0xeb: {  	v2 =	vld.idx.msk [tilespmem:v2+s4+$0x0], $0xffff  }
0xec: {  	v3 =	vld.idx.msk [tilespmem:v3+s4+$0x0], $0xffff  }
0xed: {  	v4 =	vld.idx.msk [tilespmem:v4+s4+$0x0], $0xffff  }
0xee: {  	v5 =	vld.idx.msk [tilespmem:v5+s4+$0x0], $0xffff  }
0xef: {  	[tilespmem:s5+$0x5870] =	vst.add.f32.msk $0xffff, v0  }
0xf0: {  	v6 =	vld.idx.msk [tilespmem:v6+s4+$0x0], $0xffff  }
0xf1: {  	v0 =	vld.idx.msk [tilespmem:v7+s4+$0x0], $0xffff  }
0xf2: {  	[tilespmem:s5+$0x5800] =	vst.add.f32.msk $0xffff, v1  }
.Ltmp3:
0xf3: {  	[tilespmem:s5+$0x5810] =	vst.add.f32.msk $0xffff, v2;
	(pc) =	sbr.rel @p0 .LBB2_7-.Ltmp3, $4  }
0xf4: {  	[tilespmem:s5+$0x5820] =	vst.add.f32.msk $0xffff, v3  }
0xf5: {  	[tilespmem:s5+$0x5830] =	vst.add.f32.msk $0xffff, v4  }
0xf6: {  	[tilespmem:s5+$0x5840] =	vst.add.f32.msk $0xffff, v5  }
0xf7: {  	s7 =	sadd.s32 $0x200, s7;
	[tilespmem:s5+$0x5850] =	vst.add.f32.msk $0xffff, v6  }
0xf8: {  	s2 =	sadd.s32 s2, s3  }
0xf9: {  	[tilespmem:s5+$0x5860] =	vst.add.f32.msk $0xffff, v0;
	s26 =	simm.s32 $0x0;
	s4 =	simm.s32 $0x5800;
	s28 =	simm.s32 $0x1  }
0xfa: {  	[hbm4b:s2+s26] =	stream.linear.scatter [tilespmem:s4], [sflag:$0x4], $0xC80, $0x38;
	[tilespmem:$0x6480] =	vst v63  }
0xfb: {  	_ =	swait.ge [sflag:s28], $0xC80  }
0xfc: {  	[sflag:s28] =	ssyncset.done $0x0  }
0xfd: {  	s29 =	simm.s32 $0x2;
	[sflag:s28] =	ssyncadd.s32 $0xFFFFF380  }
0xfe: {  	_ =	swait.ge [sflag:s29], $0xC80  }
0xff: {  	[sflag:s29] =	ssyncset.done $0x0  }
0x100: {  	s30 =	simm.s32 $0x3;
	[sflag:s29] =	ssyncadd.s32 $0xFFFFF380  }
0x101: {  	_ =	swait.ge [sflag:s30], $0xC80  }
0x102: {  	[sflag:s30] =	ssyncset.done $0x0  }
0x103: {  	s31 =	simm.s32 $0x4;
	[sflag:s30] =	ssyncadd.s32 $0xFFFFF380  }
0x104: {  	_ =	swait.ge [sflag:s31], $0xC80  }
0x105: {  	[sflag:s31] =	ssyncset.done $0x0  }
0x106: {  	[sflag:s31] =	ssyncadd.s32 $0xFFFFF380  }
0x107: {  	_ =	sfence.sel $0x180000  }
0x108: {  	[bflag:$0x0] =	sbarrier.arrive $0xFFFF  }
0x109: {  	p0 =	sne.s32 s1, $0x0;
	_ =	strace $0x90000047  }
0x10a: {  	s0 =	sadd.s32 @!p0 $0x100000, s0;
	[bflag:$0x2] =	sbarrier.arrive $0xFFFF  }
0x10b: {  	[sflag:s0] =	ssyncadd.tile.s32 @!p0 $0x1;
	_ =	shalt  }
.Lfunc_end2:
_tile_overlayer_lowered:
.L_overlay_start_2:
0x10c: {  	(tag) =	ssettag $0x2  }
0x10d: {  	s0 =	rddreg [dreg:$0x0];
	s2 =	stileid.u32  }
0x10e: {  	s1 =	rddreg [dreg:$0x1];
	p0 =	sne.s32 s2, $0x0  }
0x10f: {  	s3 =	rddreg [dreg:$0x2];
	[bflag:$0x3] =	sbarrier.arrive $0xFFFF;
	s2 =	simm.s32 @!p0 $0x1C0A  }
0x110: {  	[timem:s3], [sflag:s2] =	dma.local @!p0 [hbm:s0], s1  }
0x111: {  	s0 =	simm.s32 @!p0 $0xA  }
0x112: {  	_ =	swait.ge @!p0 [sflag:s0], s1  }
0x113: {  	s1 =	ssub.s32 @!p0 $0x0, s1;
	[sflag:s0] =	ssyncset.done @!p0 $0x0  }
0x114: {  	[sflag:s0] =	ssyncadd.s32 @!p0 s1  }
0x115: {  	[bflag:$0x3] =	sbarrier.arrive $0xFFFF  }
0x116: {  	_ =	shalt  }

</sc_bundles>
